<compile_context>
chip_gen: v7x
topology: tpu7x:2x2x1
jax: 0.10.2.dev20260603
libtpu: 0.0.44.dev20260713+nightly
codegen_flags: <defaults>
</compile_context>

<pallas_src>
import functools

import jax
import jax.numpy as jnp
from jax import lax
from jax.experimental import pallas as pl
from jax.experimental.pallas import tpu as pltpu
from jax.experimental.pallas import tpu_sc as plsc

B, N, H = 64, 4096, 128
K = H // 2
L = 16
NW = 32
RPW = B // NW
NCHUNK = N // L

BB = 2
NBB = B // BB
BN = BB * N
HBN = BN // 2

_LN2 = 0.6931471805599453


def _tc_body(emb_a_ref, emb_b_ref, u_ref, w1_ref, b1_ref, w2_ref, b2_ref,
             logits_ref, gum_ref):
    for i, eref in enumerate((emb_a_ref, emb_b_ref)):
        e = eref[...].reshape(HBN, H)
        ht = lax.dot_general(w1_ref[...], e, (((0,), (1,)), ((), ())),
                             preferred_element_type=jnp.float32)
        ht = jnp.maximum(ht + b1_ref[...], 0.0)
        lt = lax.dot_general(w2_ref[...], ht, (((0,), (0,)), ((), ())),
                             preferred_element_type=jnp.float32)
        logits_ref[pl.ds(i * HBN, HBN)] = (lt + b2_ref[0, 0]).reshape(HBN)
    gum_ref[...] = -jnp.log(-jnp.log(u_ref[...]))


def _tc_logits(emb, u, w1, b1, w2, b2):
    return pl.pallas_call(
        _tc_body,
        grid=(NBB,),
        in_specs=[
            pl.BlockSpec((BB // 2, N, H), lambda b: (2 * b, 0, 0)),
            pl.BlockSpec((BB // 2, N, H), lambda b: (2 * b + 1, 0, 0)),
            pl.BlockSpec((BN,), lambda b: (b,)),
            pl.BlockSpec((H, K), lambda b: (0, 0)),
            pl.BlockSpec((K, 1), lambda b: (0, 0)),
            pl.BlockSpec((K, 1), lambda b: (0, 0)),
            pl.BlockSpec((1, 1), lambda b: (0, 0)),
        ],
        out_specs=[
            pl.BlockSpec((BN,), lambda b: (b,)),
            pl.BlockSpec((BN,), lambda b: (b,)),
        ],
        out_shape=[
            jax.ShapeDtypeStruct((B * N,), jnp.float32),
            jax.ShapeDtypeStruct((B * N,), jnp.float32),
        ],
        compiler_params=pltpu.CompilerParams(
            dimension_semantics=("parallel",)),
    )(emb, emb, u, w1, b1, w2, b2)


def _row_reduce(lrow, grow):
    iota = lax.iota(jnp.int32, L)
    neg = jnp.full((L,), -1e30, jnp.float32)

    def step(c, carry):
        vmax_phi, vidx, vbest_logit, vm, vs = carry
        for k in range(2):
            off = (2 * c + k) * L
            lc = lrow[pl.ds(off, L)]
            pc = lc + grow[pl.ds(off, L)]
            pos = off + iota
            gt = pc > vmax_phi
            vmax_phi = jnp.where(gt, pc, vmax_phi)
            vidx = jnp.where(gt, pos, vidx)
            vbest_logit = jnp.where(gt, lc, vbest_logit)
            vm_new = jnp.maximum(vm, lc)
            vs = vs * jnp.exp(vm - vm_new) + jnp.exp(lc - vm_new)
            vm = vm_new
        return vmax_phi, vidx, vbest_logit, vm, vs

    vmax_phi, vidx, vbest_logit, vm, vs = lax.fori_loop(
        0, NCHUNK // 2, step,
        (neg, jnp.zeros((L,), jnp.int32), neg, neg,
         jnp.zeros((L,), jnp.float32)))

    m_phi = jnp.max(vmax_phi)
    cand = jnp.where(vmax_phi == m_phi, vidx, jnp.int32(2147483647))
    idx = jnp.min(cand)
    lv = jnp.max(jnp.where(vidx == idx, vbest_logit, neg))
    m_l = jnp.max(vm)
    s = jnp.sum(vs * jnp.exp(vm - m_l))

    sv = jnp.full((L,), s)
    bits = lax.bitcast_convert_type(sv, jnp.int32)
    ef = (((bits >> 23) & 255) - 127).astype(jnp.float32)
    mant = lax.bitcast_convert_type(
        (bits & 0x007FFFFF) | 0x3F800000, jnp.float32)
    t = (mant - 1.0) / (mant + 1.0)
    y = ef * _LN2 + 2.0 * t + 0.66666667 * t * t * t
    y = y + sv * jnp.exp(-y) - 1.0
    y = y + sv * jnp.exp(-y) - 1.0
    ln_s = jnp.max(y)

    return idx, lv - m_l - ln_s


def _sc_sample(logits_flat, gum_flat):
    mesh = plsc.VectorSubcoreMesh(core_axis_name="c", subcore_axis_name="s")

    @functools.partial(
        pl.kernel,
        out_type=[
            jax.ShapeDtypeStruct((NW, L), jnp.int32),
            jax.ShapeDtypeStruct((NW, L), jnp.float32),
        ],
        mesh=mesh,
        scratch_types=[
            pltpu.VMEM((N,), jnp.float32),
            pltpu.VMEM((N,), jnp.float32),
            pltpu.VMEM((L,), jnp.int32),
            pltpu.VMEM((L,), jnp.float32),
        ],
        compiler_params=pltpu.CompilerParams(needs_layout_passes=False),
    )
    def sc_kernel(logits_hbm, gum_hbm, out_i_hbm, out_f_hbm,
                  lrow, grow, obuf_i, obuf_f):
        wid = lax.axis_index("s") * 2 + lax.axis_index("c")
        iota = lax.iota(jnp.int32, L)
        idxs = []
        lps = []
        for j in range(RPW):
            r = wid * RPW + j
            pltpu.sync_copy(logits_hbm.at[pl.ds(r * N, N)], lrow)
            pltpu.sync_copy(gum_hbm.at[pl.ds(r * N, N)], grow)
            idx, lp = _row_reduce(lrow, grow)
            idxs.append(idx)
            lps.append(lp)
        res_i = jnp.zeros((L,), jnp.int32)
        res_f = jnp.zeros((L,), jnp.float32)
        for j in range(RPW):
            res_i = jnp.where(iota == j, idxs[j], res_i)
            res_f = jnp.where(iota == j, lps[j], res_f)
        obuf_i[...] = res_i
        obuf_f[...] = res_f
        pltpu.sync_copy(obuf_i, out_i_hbm.at[wid])
        pltpu.sync_copy(obuf_f, out_f_hbm.at[wid])

    return sc_kernel(logits_flat, gum_flat)


def kernel(node_embedds, u, W1, b1, W2, b2):
    logits, gum = _tc_logits(node_embedds, u.reshape(B * N),
                             W1, b1.reshape(K, 1), W2, b2.reshape(1, 1))
    out_i, out_f = _sc_sample(logits, gum)
    sampled = out_i[:, :RPW].reshape(B)
    log_probs = out_f[:, :RPW].reshape(B)
    return (sampled, log_probs)

# --- scband reference (transcript-rebuilt; emitter-appended) ---
"""Pipeline reference for scband-sequential-net1-51307679318509 (READ-ONLY COPY).

The authoritative reference and input builder live on the scoring server;
editing this copy changes nothing except your own understanding.
"""

import jax, jax.numpy as jnp
import numpy as np

B, N, H = 64, 4096, 128

def setup_inputs(seed: int = 0) -> dict:
    key = jax.random.key(seed)
    k1, k2, k3, k4 = jax.random.split(key, 4)
    node_embedds = jax.random.normal(k1, (B, N, H), dtype=jnp.float32)
    u = jax.random.uniform(k2, (B, N), dtype=jnp.float32, minval=1e-6, maxval=1.0 - 1e-6)
    W1 = jax.random.normal(k3, (H, H // 2), dtype=jnp.float32) * 0.1
    b1 = jnp.zeros((H // 2,), dtype=jnp.float32)
    W2 = jax.random.normal(k4, (H // 2, 1), dtype=jnp.float32) * 0.1
    b2 = jnp.zeros((1,), dtype=jnp.float32)
    return {"node_embedds": node_embedds, "u": u, "W1": W1, "b1": b1, "W2": W2, "b2": b2}

def reference(node_embedds, u, W1, b1, W2, b2):
    # MLPReadout: per-node scalar parameterization
    h = jax.nn.relu(jnp.einsum('bnh,hk->bnk', node_embedds, W1) + b1)
    logits = (jnp.einsum('bnk,ko->bno', h, W2) + b2)[..., 0]  # [B, N]
    # categorical_params = softmax(param[candidate]); multinomial sample via Gumbel-max
    logp = jax.nn.log_softmax(logits, axis=-1)
    gumbel = -jnp.log(-jnp.log(u))
    sampled = jnp.argmax(logits + gumbel, axis=-1)  # [B]
    # log_probs[b] = log(categorical_params[sampled])
    log_probs = jnp.take_along_axis(logp, sampled[:, None], axis=-1)[:, 0]
    return (sampled, log_probs)

if __name__ == "__main__":
    import jax
    _d = setup_inputs()
    print(jax.jit(kernel)(*tuple(_d.values())))

</pallas_src>

<mosaic_0001>
#map = affine_map<(d0, d1) -> (0)>
#map1 = affine_map<(d0, d1) -> (0, 0)>
module attributes {stable_mosaic.version = 14 : i64} {
  func.func @sc_kernel(%arg0: i32, %arg1: i32, %arg2: memref<262144xf32, #tpu.memory_space<hbm>>, %arg3: memref<262144xf32, #tpu.memory_space<hbm>>, %arg4: memref<32x16xi32, #tpu.memory_space<hbm>>, %arg5: memref<32x16xf32, #tpu.memory_space<hbm>>, %arg6: memref<4096xf32, #tpu.memory_space<vmem>>, %arg7: memref<4096xf32, #tpu.memory_space<vmem>>, %arg8: memref<16xi32, #tpu.memory_space<vmem>>, %arg9: memref<16xf32, #tpu.memory_space<vmem>>) attributes {dimension_semantics = [#tpu.dimension_semantics<core_parallel>, #tpu.dimension_semantics<subcore_parallel>], iteration_bounds = array<i64: 2, 16>, scalar_prefetch = 0 : i64, scratch_operands = 4 : i64, tpu.core_type = #tpu.core_type<sc_vector_subcore>, window_params = [{transform_indices = #map}, {transform_indices = #map}, {transform_indices = #map1}, {transform_indices = #map1}]} {
    %mul3A = arith.constant 2 : i32
    %mul3A_0 = arith.muli %arg1, %mul3A : i32
    %add3A = arith.addi %mul3A_0, %arg0 : i32
    %iota3A = tpu.iota {dimensions = array<i32: 0>} : vector<16xi32>
    %mul3A_1 = arith.constant 2 : i32
    %mul3A_2 = arith.muli %add3A, %mul3A_1 : i32
    %add3A_3 = arith.constant 0 : i32
    %add3A_4 = arith.addi %mul3A_2, %add3A_3 : i32
    %mul3A_5 = arith.constant 4096 : i32
    %mul3A_6 = arith.muli %add3A_4, %mul3A_5 : i32
    "tpu.region"() ({
      %run_scoped3A = tpu.sem_alloc : memref<!tpu.dma_semaphore, #tpu.memory_space<semaphore_mem>>
      %dma_start3A = tpu.memref_slice %arg2[%mul3A_6] : memref<262144xf32, #tpu.memory_space<hbm>> -> memref<4096xf32, #tpu.memory_space<hbm>>
      %dma_start3A_251 = tpu.memref_slice %arg2[%mul3A_6] : memref<262144xf32, #tpu.memory_space<hbm>> -> memref<4096xf32, #tpu.memory_space<hbm>>
      tpu.enqueue_dma source(%dma_start3A_251 : memref<4096xf32, #tpu.memory_space<hbm>>) target(%arg6 : memref<4096xf32, #tpu.memory_space<vmem>>) target_semaphore(%run_scoped3A : memref<!tpu.dma_semaphore, #tpu.memory_space<semaphore_mem>>)
      %dma_wait3A = tpu.memref_slice %arg2[%mul3A_6] : memref<262144xf32, #tpu.memory_space<hbm>> -> memref<4096xf32, #tpu.memory_space<hbm>>
      %dma_wait3A_252 = tpu.memref_slice %arg2[%mul3A_6] : memref<262144xf32, #tpu.memory_space<hbm>> -> memref<4096xf32, #tpu.memory_space<hbm>>
      tpu.wait_dma2 semaphore(%run_scoped3A : memref<!tpu.dma_semaphore, #tpu.memory_space<semaphore_mem>>) src(%dma_wait3A_252 : memref<4096xf32, #tpu.memory_space<hbm>>) dst(%arg6 : memref<4096xf32, #tpu.memory_space<vmem>>)
      tpu.yield
    }) : () -> ()
    %mul3A_7 = arith.constant 4096 : i32
    %mul3A_8 = arith.muli %add3A_4, %mul3A_7 : i32
    "tpu.region"() ({
      %run_scoped3A = tpu.sem_alloc : memref<!tpu.dma_semaphore, #tpu.memory_space<semaphore_mem>>
      %dma_start3A = tpu.memref_slice %arg3[%mul3A_8] : memref<262144xf32, #tpu.memory_space<hbm>> -> memref<4096xf32, #tpu.memory_space<hbm>>
      %dma_start3A_251 = tpu.memref_slice %arg3[%mul3A_8] : memref<262144xf32, #tpu.memory_space<hbm>> -> memref<4096xf32, #tpu.memory_space<hbm>>
      tpu.enqueue_dma source(%dma_start3A_251 : memref<4096xf32, #tpu.memory_space<hbm>>) target(%arg7 : memref<4096xf32, #tpu.memory_space<vmem>>) target_semaphore(%run_scoped3A : memref<!tpu.dma_semaphore, #tpu.memory_space<semaphore_mem>>)
      %dma_wait3A = tpu.memref_slice %arg3[%mul3A_8] : memref<262144xf32, #tpu.memory_space<hbm>> -> memref<4096xf32, #tpu.memory_space<hbm>>
      %dma_wait3A_252 = tpu.memref_slice %arg3[%mul3A_8] : memref<262144xf32, #tpu.memory_space<hbm>> -> memref<4096xf32, #tpu.memory_space<hbm>>
      tpu.wait_dma2 semaphore(%run_scoped3A : memref<!tpu.dma_semaphore, #tpu.memory_space<semaphore_mem>>) src(%dma_wait3A_252 : memref<4096xf32, #tpu.memory_space<hbm>>) dst(%arg7 : memref<4096xf32, #tpu.memory_space<vmem>>)
      tpu.yield
    }) : () -> ()
    %iota3A_9 = tpu.iota {dimensions = array<i32: 0>} : vector<16xi32>
    %broadcast_in_dim3A = arith.constant -1.000000e+30 : f32
    %broadcast_in_dim3A_10 = vector.broadcast %broadcast_in_dim3A : f32 to vector<16xf32>
    %broadcast_in_dim3A_11 = arith.constant 0 : i32
    %broadcast_in_dim3A_12 = vector.broadcast %broadcast_in_dim3A_11 : i32 to vector<16xi32>
    %broadcast_in_dim3A_13 = arith.constant 0.000000e+00 : f32
    %broadcast_in_dim3A_14 = vector.broadcast %broadcast_in_dim3A_13 : f32 to vector<16xf32>
    %scan3A = arith.constant 0 : i32
    %scan3A_15 = arith.constant 128 : i32
    %scan3A_16 = arith.addi %scan3A, %scan3A_15 : i32
    %scan3A_17 = arith.constant 1 : i32
    %scan3A_18:5 = scf.for %scan3A_251 = %scan3A to %scan3A_16 step %scan3A_17 iter_args(%scan3A_252 = %broadcast_in_dim3A_10, %scan3A_253 = %broadcast_in_dim3A_12, %scan3A_254 = %broadcast_in_dim3A_10, %scan3A_255 = %broadcast_in_dim3A_10, %scan3A_256 = %broadcast_in_dim3A_14) -> (vector<16xf32>, vector<16xi32>, vector<16xf32>, vector<16xf32>, vector<16xf32>)  : i32 {
      %mul3A_257 = arith.constant 2 : i32
      %mul3A_258 = arith.muli %mul3A_257, %scan3A_251 : i32
      %add3A_259 = arith.constant 0 : i32
      %add3A_260 = arith.addi %mul3A_258, %add3A_259 : i32
      %mul3A_261 = arith.constant 16 : i32
      %mul3A_262 = arith.muli %add3A_260, %mul3A_261 : i32
      %get3A = arith.index_cast %mul3A_262 : i32 to index
      %get3A_263 = tpu.vector_load %arg6[%get3A] {strides = array<i32>} : memref<4096xf32, #tpu.memory_space<vmem>>, vector<16xf32>,
      %get3A_264 = arith.index_cast %mul3A_262 : i32 to index
      %get3A_265 = tpu.vector_load %arg7[%get3A_264] {strides = array<i32>} : memref<4096xf32, #tpu.memory_space<vmem>>, vector<16xf32>,
      %add3A_266 = arith.addf %get3A_263, %get3A_265 : vector<16xf32>
      %add3A_267 = vector.broadcast %mul3A_262 : i32 to vector<16xi32>
      %add3A_268 = arith.addi %add3A_267, %iota3A_9 : vector<16xi32>
      %gt3A = arith.cmpf ogt, %add3A_266, %scan3A_252 : vector<16xf32>
      %select_n3A_269 = arith.select %gt3A, %add3A_266, %scan3A_252 : vector<16xi1>, vector<16xf32>
      %select_n3A_270 = arith.select %gt3A, %add3A_268, %scan3A_253 : vector<16xi1>, vector<16xi32>
      %select_n3A_271 = arith.select %gt3A, %get3A_263, %scan3A_254 : vector<16xi1>, vector<16xf32>
      %max3A = arith.maximumf %scan3A_255, %get3A_263 : vector<16xf32>
      %sub3A_272 = arith.subf %scan3A_255, %max3A : vector<16xf32>
      %exp3A_273 = math.exp %sub3A_272 : vector<16xf32>
      %mul3A_274 = arith.mulf %scan3A_256, %exp3A_273 : vector<16xf32>
      %sub3A_275 = arith.subf %get3A_263, %max3A : vector<16xf32>
      %exp3A_276 = math.exp %sub3A_275 : vector<16xf32>
      %add3A_277 = arith.addf %mul3A_274, %exp3A_276 : vector<16xf32>
      %mul3A_278 = arith.constant 2 : i32
      %mul3A_279 = arith.muli %mul3A_278, %scan3A_251 : i32
      %add3A_280 = arith.constant 1 : i32
      %add3A_281 = arith.addi %mul3A_279, %add3A_280 : i32
      %mul3A_282 = arith.constant 16 : i32
      %mul3A_283 = arith.muli %add3A_281, %mul3A_282 : i32
      %get3A_284 = arith.index_cast %mul3A_283 : i32 to index
      %get3A_285 = tpu.vector_load %arg6[%get3A_284] {strides = array<i32>} : memref<4096xf32, #tpu.memory_space<vmem>>, vector<16xf32>,
      %get3A_286 = arith.index_cast %mul3A_283 : i32 to index
      %get3A_287 = tpu.vector_load %arg7[%get3A_286] {strides = array<i32>} : memref<4096xf32, #tpu.memory_space<vmem>>, vector<16xf32>,
      %add3A_288 = arith.addf %get3A_285, %get3A_287 : vector<16xf32>
      %add3A_289 = vector.broadcast %mul3A_283 : i32 to vector<16xi32>
      %add3A_290 = arith.addi %add3A_289, %iota3A_9 : vector<16xi32>
      %gt3A_291 = arith.cmpf ogt, %add3A_288, %select_n3A_269 : vector<16xf32>
      %select_n3A_292 = arith.select %gt3A_291, %add3A_288, %select_n3A_269 : vector<16xi1>, vector<16xf32>
      %select_n3A_293 = arith.select %gt3A_291, %add3A_290, %select_n3A_270 : vector<16xi1>, vector<16xi32>
      %select_n3A_294 = arith.select %gt3A_291, %get3A_285, %select_n3A_271 : vector<16xi1>, vector<16xf32>
      %max3A_295 = arith.maximumf %max3A, %get3A_285 : vector<16xf32>
      %sub3A_296 = arith.subf %max3A, %max3A_295 : vector<16xf32>
      %exp3A_297 = math.exp %sub3A_296 : vector<16xf32>
      %mul3A_298 = arith.mulf %add3A_277, %exp3A_297 : vector<16xf32>
      %sub3A_299 = arith.subf %get3A_285, %max3A_295 : vector<16xf32>
      %exp3A_300 = math.exp %sub3A_299 : vector<16xf32>
      %add3A_301 = arith.addf %mul3A_298, %exp3A_300 : vector<16xf32>
      scf.yield %select_n3A_292, %select_n3A_293, %select_n3A_294, %max3A_295, %add3A_301 : vector<16xf32>, vector<16xi32>, vector<16xf32>, vector<16xf32>, vector<16xf32>
    }
    %scan3A_19 = arith.constant 128 : i32
    %reduce_max3A = arith.constant true
    %reduce_max3A_20 = vector.broadcast %reduce_max3A : i1 to vector<16xi1>
    %reduce_max3A_21 = tpu.scan <max>, %scan3A_18#0 masked %reduce_max3A_20 : vector<16xf32>, vector<16xi1> -> vector<16xf32>
    %reduce_max3A_22 = vector.extract %reduce_max3A_21[15] : f32 from vector<16xf32>
    %eq3A = vector.broadcast %reduce_max3A_22 : f32 to vector<16xf32>
    %eq3A_23 = arith.cmpf oeq, %scan3A_18#0, %eq3A : vector<16xf32>
    %jit3A = arith.constant 2147483647 : i32
    %broadcast_in_dim3A_24 = vector.broadcast %jit3A : i32 to vector<16xi32>
    %select_n3A = arith.select %eq3A_23, %scan3A_18#1, %broadcast_in_dim3A_24 : vector<16xi1>, vector<16xi32>
    %reduce_min3A = arith.constant true
    %reduce_min3A_25 = vector.broadcast %reduce_min3A : i1 to vector<16xi1>
    %reduce_min3A_26 = arith.constant -2147483648 : i32
    %reduce_min3A_27 = vector.broadcast %reduce_min3A_26 : i32 to vector<16xi32>
    %reduce_min3A_28 = arith.xori %select_n3A, %reduce_min3A_27 : vector<16xi32>
    %reduce_min3A_29 = tpu.scan <min>, %reduce_min3A_28 masked %reduce_min3A_25 : vector<16xi32>, vector<16xi1> -> vector<16xi32>
    %reduce_min3A_30 = arith.xori %reduce_min3A_29, %reduce_min3A_27 : vector<16xi32>
    %reduce_min3A_31 = vector.extract %reduce_min3A_30[15] : i32 from vector<16xi32>
    %eq3A_32 = vector.broadcast %reduce_min3A_31 : i32 to vector<16xi32>
    %eq3A_33 = arith.cmpi eq, %scan3A_18#1, %eq3A_32 : vector<16xi32>
    %select_n3A_34 = arith.select %eq3A_33, %scan3A_18#2, %broadcast_in_dim3A_10 : vector<16xi1>, vector<16xf32>
    %reduce_max3A_35 = arith.constant true
    %reduce_max3A_36 = vector.broadcast %reduce_max3A_35 : i1 to vector<16xi1>
    %reduce_max3A_37 = tpu.scan <max>, %select_n3A_34 masked %reduce_max3A_36 : vector<16xf32>, vector<16xi1> -> vector<16xf32>
    %reduce_max3A_38 = vector.extract %reduce_max3A_37[15] : f32 from vector<16xf32>
    %reduce_max3A_39 = arith.constant true
    %reduce_max3A_40 = vector.broadcast %reduce_max3A_39 : i1 to vector<16xi1>
    %reduce_max3A_41 = tpu.scan <max>, %scan3A_18#3 masked %reduce_max3A_40 : vector<16xf32>, vector<16xi1> -> vector<16xf32>
    %reduce_max3A_42 = vector.extract %reduce_max3A_41[15] : f32 from vector<16xf32>
    %sub3A = vector.broadcast %reduce_max3A_42 : f32 to vector<16xf32>
    %sub3A_43 = arith.subf %scan3A_18#3, %sub3A : vector<16xf32>
    %exp3A = math.exp %sub3A_43 : vector<16xf32>
    %mul3A_44 = arith.mulf %scan3A_18#4, %exp3A : vector<16xf32>
    %reduce_sum3A = arith.constant true
    %reduce_sum3A_45 = vector.broadcast %reduce_sum3A : i1 to vector<16xi1>
    %reduce_sum3A_46 = tpu.scan <sum>, %mul3A_44 masked %reduce_sum3A_45 : vector<16xf32>, vector<16xi1> -> vector<16xf32>
    %reduce_sum3A_47 = vector.extract %reduce_sum3A_46[15] : f32 from vector<16xf32>
    %broadcast_in_dim3A_48 = vector.broadcast %reduce_sum3A_47 : f32 to vector<16xf32>
    %bitcast_convert_type3A = tpu.bitcast %broadcast_in_dim3A_48 : vector<16xf32> -> vector<16xi32>
    %shift_right_arithmetic3A = arith.constant 23 : i32
    %shift_right_arithmetic3A_49 = vector.broadcast %shift_right_arithmetic3A : i32 to vector<16xi32>
    %shift_right_arithmetic3A_50 = arith.shrsi %bitcast_convert_type3A, %shift_right_arithmetic3A_49 : vector<16xi32>
    %and3A = arith.constant 255 : i32
    %and3A_51 = vector.broadcast %and3A : i32 to vector<16xi32>
    %and3A_52 = arith.andi %shift_right_arithmetic3A_50, %and3A_51 : vector<16xi32>
    %sub3A_53 = arith.constant 127 : i32
    %sub3A_54 = vector.broadcast %sub3A_53 : i32 to vector<16xi32>
    %sub3A_55 = arith.subi %and3A_52, %sub3A_54 : vector<16xi32>
    %convert_element_type3A = arith.sitofp %sub3A_55 : vector<16xi32> to vector<16xf32>
    %and3A_56 = arith.constant 8388607 : i32
    %and3A_57 = vector.broadcast %and3A_56 : i32 to vector<16xi32>
    %and3A_58 = arith.andi %bitcast_convert_type3A, %and3A_57 : vector<16xi32>
    %or3A = arith.constant 1065353216 : i32
    %or3A_59 = vector.broadcast %or3A : i32 to vector<16xi32>
    %or3A_60 = arith.ori %and3A_58, %or3A_59 : vector<16xi32>
    %bitcast_convert_type3A_61 = tpu.bitcast %or3A_60 : vector<16xi32> -> vector<16xf32>
    %sub3A_62 = arith.constant 1.000000e+00 : f32
    %sub3A_63 = vector.broadcast %sub3A_62 : f32 to vector<16xf32>
    %sub3A_64 = arith.subf %bitcast_convert_type3A_61, %sub3A_63 : vector<16xf32>
    %add3A_65 = arith.constant 1.000000e+00 : f32
    %add3A_66 = vector.broadcast %add3A_65 : f32 to vector<16xf32>
    %add3A_67 = arith.addf %bitcast_convert_type3A_61, %add3A_66 : vector<16xf32>
    %div3A = arith.divf %sub3A_64, %add3A_67 : vector<16xf32>
    %mul3A_68 = arith.constant 0.693147182 : f32
    %mul3A_69 = vector.broadcast %mul3A_68 : f32 to vector<16xf32>
    %mul3A_70 = arith.mulf %convert_element_type3A, %mul3A_69 : vector<16xf32>
    %mul3A_71 = arith.constant 2.000000e+00 : f32
    %mul3A_72 = vector.broadcast %mul3A_71 : f32 to vector<16xf32>
    %mul3A_73 = arith.mulf %mul3A_72, %div3A : vector<16xf32>
    %add3A_74 = arith.addf %mul3A_70, %mul3A_73 : vector<16xf32>
    %mul3A_75 = arith.constant 0.666666686 : f32
    %mul3A_76 = vector.broadcast %mul3A_75 : f32 to vector<16xf32>
    %mul3A_77 = arith.mulf %mul3A_76, %div3A : vector<16xf32>
    %mul3A_78 = arith.mulf %mul3A_77, %div3A : vector<16xf32>
    %mul3A_79 = arith.mulf %mul3A_78, %div3A : vector<16xf32>
    %add3A_80 = arith.addf %add3A_74, %mul3A_79 : vector<16xf32>
    %neg3A = arith.constant 0.000000e+00 : f32
    %neg3A_81 = vector.broadcast %neg3A : f32 to vector<16xf32>
    %neg3A_82 = arith.subf %neg3A_81, %add3A_80 : vector<16xf32>
    %exp3A_83 = math.exp %neg3A_82 : vector<16xf32>
    %mul3A_84 = arith.mulf %broadcast_in_dim3A_48, %exp3A_83 : vector<16xf32>
    %add3A_85 = arith.addf %add3A_80, %mul3A_84 : vector<16xf32>
    %sub3A_86 = arith.constant 1.000000e+00 : f32
    %sub3A_87 = vector.broadcast %sub3A_86 : f32 to vector<16xf32>
    %sub3A_88 = arith.subf %add3A_85, %sub3A_87 : vector<16xf32>
    %neg3A_89 = arith.constant 0.000000e+00 : f32
    %neg3A_90 = vector.broadcast %neg3A_89 : f32 to vector<16xf32>
    %neg3A_91 = arith.subf %neg3A_90, %sub3A_88 : vector<16xf32>
    %exp3A_92 = math.exp %neg3A_91 : vector<16xf32>
    %mul3A_93 = arith.mulf %broadcast_in_dim3A_48, %exp3A_92 : vector<16xf32>
    %add3A_94 = arith.addf %sub3A_88, %mul3A_93 : vector<16xf32>
    %sub3A_95 = arith.constant 1.000000e+00 : f32
    %sub3A_96 = vector.broadcast %sub3A_95 : f32 to vector<16xf32>
    %sub3A_97 = arith.subf %add3A_94, %sub3A_96 : vector<16xf32>
    %reduce_max3A_98 = arith.constant true
    %reduce_max3A_99 = vector.broadcast %reduce_max3A_98 : i1 to vector<16xi1>
    %reduce_max3A_100 = tpu.scan <max>, %sub3A_97 masked %reduce_max3A_99 : vector<16xf32>, vector<16xi1> -> vector<16xf32>
    %reduce_max3A_101 = vector.extract %reduce_max3A_100[15] : f32 from vector<16xf32>
    %sub3A_102 = arith.subf %reduce_max3A_38, %reduce_max3A_42 : f32
    %sub3A_103 = arith.subf %sub3A_102, %reduce_max3A_101 : f32
    %mul3A_104 = arith.constant 2 : i32
    %mul3A_105 = arith.muli %add3A, %mul3A_104 : i32
    %add3A_106 = arith.constant 1 : i32
    %add3A_107 = arith.addi %mul3A_105, %add3A_106 : i32
    %mul3A_108 = arith.constant 4096 : i32
    %mul3A_109 = arith.muli %add3A_107, %mul3A_108 : i32
    "tpu.region"() ({
      %run_scoped3A = tpu.sem_alloc : memref<!tpu.dma_semaphore, #tpu.memory_space<semaphore_mem>>
      %dma_start3A = tpu.memref_slice %arg2[%mul3A_109] : memref<262144xf32, #tpu.memory_space<hbm>> -> memref<4096xf32, #tpu.memory_space<hbm>>
      %dma_start3A_251 = tpu.memref_slice %arg2[%mul3A_109] : memref<262144xf32, #tpu.memory_space<hbm>> -> memref<4096xf32, #tpu.memory_space<hbm>>
      tpu.enqueue_dma source(%dma_start3A_251 : memref<4096xf32, #tpu.memory_space<hbm>>) target(%arg6 : memref<4096xf32, #tpu.memory_space<vmem>>) target_semaphore(%run_scoped3A : memref<!tpu.dma_semaphore, #tpu.memory_space<semaphore_mem>>)
      %dma_wait3A = tpu.memref_slice %arg2[%mul3A_109] : memref<262144xf32, #tpu.memory_space<hbm>> -> memref<4096xf32, #tpu.memory_space<hbm>>
      %dma_wait3A_252 = tpu.memref_slice %arg2[%mul3A_109] : memref<262144xf32, #tpu.memory_space<hbm>> -> memref<4096xf32, #tpu.memory_space<hbm>>
      tpu.wait_dma2 semaphore(%run_scoped3A : memref<!tpu.dma_semaphore, #tpu.memory_space<semaphore_mem>>) src(%dma_wait3A_252 : memref<4096xf32, #tpu.memory_space<hbm>>) dst(%arg6 : memref<4096xf32, #tpu.memory_space<vmem>>)
      tpu.yield
    }) : () -> ()
    %mul3A_110 = arith.constant 4096 : i32
    %mul3A_111 = arith.muli %add3A_107, %mul3A_110 : i32
    "tpu.region"() ({
      %run_scoped3A = tpu.sem_alloc : memref<!tpu.dma_semaphore, #tpu.memory_space<semaphore_mem>>
      %dma_start3A = tpu.memref_slice %arg3[%mul3A_111] : memref<262144xf32, #tpu.memory_space<hbm>> -> memref<4096xf32, #tpu.memory_space<hbm>>
      %dma_start3A_251 = tpu.memref_slice %arg3[%mul3A_111] : memref<262144xf32, #tpu.memory_space<hbm>> -> memref<4096xf32, #tpu.memory_space<hbm>>
      tpu.enqueue_dma source(%dma_start3A_251 : memref<4096xf32, #tpu.memory_space<hbm>>) target(%arg7 : memref<4096xf32, #tpu.memory_space<vmem>>) target_semaphore(%run_scoped3A : memref<!tpu.dma_semaphore, #tpu.memory_space<semaphore_mem>>)
      %dma_wait3A = tpu.memref_slice %arg3[%mul3A_111] : memref<262144xf32, #tpu.memory_space<hbm>> -> memref<4096xf32, #tpu.memory_space<hbm>>
      %dma_wait3A_252 = tpu.memref_slice %arg3[%mul3A_111] : memref<262144xf32, #tpu.memory_space<hbm>> -> memref<4096xf32, #tpu.memory_space<hbm>>
      tpu.wait_dma2 semaphore(%run_scoped3A : memref<!tpu.dma_semaphore, #tpu.memory_space<semaphore_mem>>) src(%dma_wait3A_252 : memref<4096xf32, #tpu.memory_space<hbm>>) dst(%arg7 : memref<4096xf32, #tpu.memory_space<vmem>>)
      tpu.yield
    }) : () -> ()
    %iota3A_112 = tpu.iota {dimensions = array<i32: 0>} : vector<16xi32>
    %broadcast_in_dim3A_113 = arith.constant -1.000000e+30 : f32
    %broadcast_in_dim3A_114 = vector.broadcast %broadcast_in_dim3A_113 : f32 to vector<16xf32>
    %broadcast_in_dim3A_115 = arith.constant 0 : i32
    %broadcast_in_dim3A_116 = vector.broadcast %broadcast_in_dim3A_115 : i32 to vector<16xi32>
    %broadcast_in_dim3A_117 = arith.constant 0.000000e+00 : f32
    %broadcast_in_dim3A_118 = vector.broadcast %broadcast_in_dim3A_117 : f32 to vector<16xf32>
    %scan3A_119 = arith.constant 0 : i32
    %scan3A_120 = arith.constant 128 : i32
    %scan3A_121 = arith.addi %scan3A_119, %scan3A_120 : i32
    %scan3A_122 = arith.constant 1 : i32
    %scan3A_123:5 = scf.for %scan3A_251 = %scan3A_119 to %scan3A_121 step %scan3A_122 iter_args(%scan3A_252 = %broadcast_in_dim3A_114, %scan3A_253 = %broadcast_in_dim3A_116, %scan3A_254 = %broadcast_in_dim3A_114, %scan3A_255 = %broadcast_in_dim3A_114, %scan3A_256 = %broadcast_in_dim3A_118) -> (vector<16xf32>, vector<16xi32>, vector<16xf32>, vector<16xf32>, vector<16xf32>)  : i32 {
      %mul3A_257 = arith.constant 2 : i32
      %mul3A_258 = arith.muli %mul3A_257, %scan3A_251 : i32
      %add3A_259 = arith.constant 0 : i32
      %add3A_260 = arith.addi %mul3A_258, %add3A_259 : i32
      %mul3A_261 = arith.constant 16 : i32
      %mul3A_262 = arith.muli %add3A_260, %mul3A_261 : i32
      %get3A = arith.index_cast %mul3A_262 : i32 to index
      %get3A_263 = tpu.vector_load %arg6[%get3A] {strides = array<i32>} : memref<4096xf32, #tpu.memory_space<vmem>>, vector<16xf32>,
      %get3A_264 = arith.index_cast %mul3A_262 : i32 to index
      %get3A_265 = tpu.vector_load %arg7[%get3A_264] {strides = array<i32>} : memref<4096xf32, #tpu.memory_space<vmem>>, vector<16xf32>,
      %add3A_266 = arith.addf %get3A_263, %get3A_265 : vector<16xf32>
      %add3A_267 = vector.broadcast %mul3A_262 : i32 to vector<16xi32>
      %add3A_268 = arith.addi %add3A_267, %iota3A_112 : vector<16xi32>
      %gt3A = arith.cmpf ogt, %add3A_266, %scan3A_252 : vector<16xf32>
      %select_n3A_269 = arith.select %gt3A, %add3A_266, %scan3A_252 : vector<16xi1>, vector<16xf32>
      %select_n3A_270 = arith.select %gt3A, %add3A_268, %scan3A_253 : vector<16xi1>, vector<16xi32>
      %select_n3A_271 = arith.select %gt3A, %get3A_263, %scan3A_254 : vector<16xi1>, vector<16xf32>
      %max3A = arith.maximumf %scan3A_255, %get3A_263 : vector<16xf32>
      %sub3A_272 = arith.subf %scan3A_255, %max3A : vector<16xf32>
      %exp3A_273 = math.exp %sub3A_272 : vector<16xf32>
      %mul3A_274 = arith.mulf %scan3A_256, %exp3A_273 : vector<16xf32>
      %sub3A_275 = arith.subf %get3A_263, %max3A : vector<16xf32>
      %exp3A_276 = math.exp %sub3A_275 : vector<16xf32>
      %add3A_277 = arith.addf %mul3A_274, %exp3A_276 : vector<16xf32>
      %mul3A_278 = arith.constant 2 : i32
      %mul3A_279 = arith.muli %mul3A_278, %scan3A_251 : i32
      %add3A_280 = arith.constant 1 : i32
      %add3A_281 = arith.addi %mul3A_279, %add3A_280 : i32
      %mul3A_282 = arith.constant 16 : i32
      %mul3A_283 = arith.muli %add3A_281, %mul3A_282 : i32
      %get3A_284 = arith.index_cast %mul3A_283 : i32 to index
      %get3A_285 = tpu.vector_load %arg6[%get3A_284] {strides = array<i32>} : memref<4096xf32, #tpu.memory_space<vmem>>, vector<16xf32>,
      %get3A_286 = arith.index_cast %mul3A_283 : i32 to index
      %get3A_287 = tpu.vector_load %arg7[%get3A_286] {strides = array<i32>} : memref<4096xf32, #tpu.memory_space<vmem>>, vector<16xf32>,
      %add3A_288 = arith.addf %get3A_285, %get3A_287 : vector<16xf32>
      %add3A_289 = vector.broadcast %mul3A_283 : i32 to vector<16xi32>
      %add3A_290 = arith.addi %add3A_289, %iota3A_112 : vector<16xi32>
      %gt3A_291 = arith.cmpf ogt, %add3A_288, %select_n3A_269 : vector<16xf32>
      %select_n3A_292 = arith.select %gt3A_291, %add3A_288, %select_n3A_269 : vector<16xi1>, vector<16xf32>
      %select_n3A_293 = arith.select %gt3A_291, %add3A_290, %select_n3A_270 : vector<16xi1>, vector<16xi32>
      %select_n3A_294 = arith.select %gt3A_291, %get3A_285, %select_n3A_271 : vector<16xi1>, vector<16xf32>
      %max3A_295 = arith.maximumf %max3A, %get3A_285 : vector<16xf32>
      %sub3A_296 = arith.subf %max3A, %max3A_295 : vector<16xf32>
      %exp3A_297 = math.exp %sub3A_296 : vector<16xf32>
      %mul3A_298 = arith.mulf %add3A_277, %exp3A_297 : vector<16xf32>
      %sub3A_299 = arith.subf %get3A_285, %max3A_295 : vector<16xf32>
      %exp3A_300 = math.exp %sub3A_299 : vector<16xf32>
      %add3A_301 = arith.addf %mul3A_298, %exp3A_300 : vector<16xf32>
      scf.yield %select_n3A_292, %select_n3A_293, %select_n3A_294, %max3A_295, %add3A_301 : vector<16xf32>, vector<16xi32>, vector<16xf32>, vector<16xf32>, vector<16xf32>
    }
    %scan3A_124 = arith.constant 128 : i32
    %reduce_max3A_125 = arith.constant true
    %reduce_max3A_126 = vector.broadcast %reduce_max3A_125 : i1 to vector<16xi1>
    %reduce_max3A_127 = tpu.scan <max>, %scan3A_123#0 masked %reduce_max3A_126 : vector<16xf32>, vector<16xi1> -> vector<16xf32>
    %reduce_max3A_128 = vector.extract %reduce_max3A_127[15] : f32 from vector<16xf32>
    %eq3A_129 = vector.broadcast %reduce_max3A_128 : f32 to vector<16xf32>
    %eq3A_130 = arith.cmpf oeq, %scan3A_123#0, %eq3A_129 : vector<16xf32>
    %jit3A_131 = arith.constant 2147483647 : i32
    %broadcast_in_dim3A_132 = vector.broadcast %jit3A_131 : i32 to vector<16xi32>
    %select_n3A_133 = arith.select %eq3A_130, %scan3A_123#1, %broadcast_in_dim3A_132 : vector<16xi1>, vector<16xi32>
    %reduce_min3A_134 = arith.constant true
    %reduce_min3A_135 = vector.broadcast %reduce_min3A_134 : i1 to vector<16xi1>
    %reduce_min3A_136 = arith.constant -2147483648 : i32
    %reduce_min3A_137 = vector.broadcast %reduce_min3A_136 : i32 to vector<16xi32>
    %reduce_min3A_138 = arith.xori %select_n3A_133, %reduce_min3A_137 : vector<16xi32>
    %reduce_min3A_139 = tpu.scan <min>, %reduce_min3A_138 masked %reduce_min3A_135 : vector<16xi32>, vector<16xi1> -> vector<16xi32>
    %reduce_min3A_140 = arith.xori %reduce_min3A_139, %reduce_min3A_137 : vector<16xi32>
    %reduce_min3A_141 = vector.extract %reduce_min3A_140[15] : i32 from vector<16xi32>
    %eq3A_142 = vector.broadcast %reduce_min3A_141 : i32 to vector<16xi32>
    %eq3A_143 = arith.cmpi eq, %scan3A_123#1, %eq3A_142 : vector<16xi32>
    %select_n3A_144 = arith.select %eq3A_143, %scan3A_123#2, %broadcast_in_dim3A_114 : vector<16xi1>, vector<16xf32>
    %reduce_max3A_145 = arith.constant true
    %reduce_max3A_146 = vector.broadcast %reduce_max3A_145 : i1 to vector<16xi1>
    %reduce_max3A_147 = tpu.scan <max>, %select_n3A_144 masked %reduce_max3A_146 : vector<16xf32>, vector<16xi1> -> vector<16xf32>
    %reduce_max3A_148 = vector.extract %reduce_max3A_147[15] : f32 from vector<16xf32>
    %reduce_max3A_149 = arith.constant true
    %reduce_max3A_150 = vector.broadcast %reduce_max3A_149 : i1 to vector<16xi1>
    %reduce_max3A_151 = tpu.scan <max>, %scan3A_123#3 masked %reduce_max3A_150 : vector<16xf32>, vector<16xi1> -> vector<16xf32>
    %reduce_max3A_152 = vector.extract %reduce_max3A_151[15] : f32 from vector<16xf32>
    %sub3A_153 = vector.broadcast %reduce_max3A_152 : f32 to vector<16xf32>
    %sub3A_154 = arith.subf %scan3A_123#3, %sub3A_153 : vector<16xf32>
    %exp3A_155 = math.exp %sub3A_154 : vector<16xf32>
    %mul3A_156 = arith.mulf %scan3A_123#4, %exp3A_155 : vector<16xf32>
    %reduce_sum3A_157 = arith.constant true
    %reduce_sum3A_158 = vector.broadcast %reduce_sum3A_157 : i1 to vector<16xi1>
    %reduce_sum3A_159 = tpu.scan <sum>, %mul3A_156 masked %reduce_sum3A_158 : vector<16xf32>, vector<16xi1> -> vector<16xf32>
    %reduce_sum3A_160 = vector.extract %reduce_sum3A_159[15] : f32 from vector<16xf32>
    %broadcast_in_dim3A_161 = vector.broadcast %reduce_sum3A_160 : f32 to vector<16xf32>
    %bitcast_convert_type3A_162 = tpu.bitcast %broadcast_in_dim3A_161 : vector<16xf32> -> vector<16xi32>
    %shift_right_arithmetic3A_163 = arith.constant 23 : i32
    %shift_right_arithmetic3A_164 = vector.broadcast %shift_right_arithmetic3A_163 : i32 to vector<16xi32>
    %shift_right_arithmetic3A_165 = arith.shrsi %bitcast_convert_type3A_162, %shift_right_arithmetic3A_164 : vector<16xi32>
    %and3A_166 = arith.constant 255 : i32
    %and3A_167 = vector.broadcast %and3A_166 : i32 to vector<16xi32>
    %and3A_168 = arith.andi %shift_right_arithmetic3A_165, %and3A_167 : vector<16xi32>
    %sub3A_169 = arith.constant 127 : i32
    %sub3A_170 = vector.broadcast %sub3A_169 : i32 to vector<16xi32>
    %sub3A_171 = arith.subi %and3A_168, %sub3A_170 : vector<16xi32>
    %convert_element_type3A_172 = arith.sitofp %sub3A_171 : vector<16xi32> to vector<16xf32>
    %and3A_173 = arith.constant 8388607 : i32
    %and3A_174 = vector.broadcast %and3A_173 : i32 to vector<16xi32>
    %and3A_175 = arith.andi %bitcast_convert_type3A_162, %and3A_174 : vector<16xi32>
    %or3A_176 = arith.constant 1065353216 : i32
    %or3A_177 = vector.broadcast %or3A_176 : i32 to vector<16xi32>
    %or3A_178 = arith.ori %and3A_175, %or3A_177 : vector<16xi32>
    %bitcast_convert_type3A_179 = tpu.bitcast %or3A_178 : vector<16xi32> -> vector<16xf32>
    %sub3A_180 = arith.constant 1.000000e+00 : f32
    %sub3A_181 = vector.broadcast %sub3A_180 : f32 to vector<16xf32>
    %sub3A_182 = arith.subf %bitcast_convert_type3A_179, %sub3A_181 : vector<16xf32>
    %add3A_183 = arith.constant 1.000000e+00 : f32
    %add3A_184 = vector.broadcast %add3A_183 : f32 to vector<16xf32>
    %add3A_185 = arith.addf %bitcast_convert_type3A_179, %add3A_184 : vector<16xf32>
    %div3A_186 = arith.divf %sub3A_182, %add3A_185 : vector<16xf32>
    %mul3A_187 = arith.constant 0.693147182 : f32
    %mul3A_188 = vector.broadcast %mul3A_187 : f32 to vector<16xf32>
    %mul3A_189 = arith.mulf %convert_element_type3A_172, %mul3A_188 : vector<16xf32>
    %mul3A_190 = arith.constant 2.000000e+00 : f32
    %mul3A_191 = vector.broadcast %mul3A_190 : f32 to vector<16xf32>
    %mul3A_192 = arith.mulf %mul3A_191, %div3A_186 : vector<16xf32>
    %add3A_193 = arith.addf %mul3A_189, %mul3A_192 : vector<16xf32>
    %mul3A_194 = arith.constant 0.666666686 : f32
    %mul3A_195 = vector.broadcast %mul3A_194 : f32 to vector<16xf32>
    %mul3A_196 = arith.mulf %mul3A_195, %div3A_186 : vector<16xf32>
    %mul3A_197 = arith.mulf %mul3A_196, %div3A_186 : vector<16xf32>
    %mul3A_198 = arith.mulf %mul3A_197, %div3A_186 : vector<16xf32>
    %add3A_199 = arith.addf %add3A_193, %mul3A_198 : vector<16xf32>
    %neg3A_200 = arith.constant 0.000000e+00 : f32
    %neg3A_201 = vector.broadcast %neg3A_200 : f32 to vector<16xf32>
    %neg3A_202 = arith.subf %neg3A_201, %add3A_199 : vector<16xf32>
    %exp3A_203 = math.exp %neg3A_202 : vector<16xf32>
    %mul3A_204 = arith.mulf %broadcast_in_dim3A_161, %exp3A_203 : vector<16xf32>
    %add3A_205 = arith.addf %add3A_199, %mul3A_204 : vector<16xf32>
    %sub3A_206 = arith.constant 1.000000e+00 : f32
    %sub3A_207 = vector.broadcast %sub3A_206 : f32 to vector<16xf32>
    %sub3A_208 = arith.subf %add3A_205, %sub3A_207 : vector<16xf32>
    %neg3A_209 = arith.constant 0.000000e+00 : f32
    %neg3A_210 = vector.broadcast %neg3A_209 : f32 to vector<16xf32>
    %neg3A_211 = arith.subf %neg3A_210, %sub3A_208 : vector<16xf32>
    %exp3A_212 = math.exp %neg3A_211 : vector<16xf32>
    %mul3A_213 = arith.mulf %broadcast_in_dim3A_161, %exp3A_212 : vector<16xf32>
    %add3A_214 = arith.addf %sub3A_208, %mul3A_213 : vector<16xf32>
    %sub3A_215 = arith.constant 1.000000e+00 : f32
    %sub3A_216 = vector.broadcast %sub3A_215 : f32 to vector<16xf32>
    %sub3A_217 = arith.subf %add3A_214, %sub3A_216 : vector<16xf32>
    %reduce_max3A_218 = arith.constant true
    %reduce_max3A_219 = vector.broadcast %reduce_max3A_218 : i1 to vector<16xi1>
    %reduce_max3A_220 = tpu.scan <max>, %sub3A_217 masked %reduce_max3A_219 : vector<16xf32>, vector<16xi1> -> vector<16xf32>
    %reduce_max3A_221 = vector.extract %reduce_max3A_220[15] : f32 from vector<16xf32>
    %sub3A_222 = arith.subf %reduce_max3A_148, %reduce_max3A_152 : f32
    %sub3A_223 = arith.subf %sub3A_222, %reduce_max3A_221 : f32
    %broadcast_in_dim3A_224 = arith.constant 0 : i32
    %broadcast_in_dim3A_225 = vector.broadcast %broadcast_in_dim3A_224 : i32 to vector<16xi32>
    %broadcast_in_dim3A_226 = arith.constant 0.000000e+00 : f32
    %broadcast_in_dim3A_227 = vector.broadcast %broadcast_in_dim3A_226 : f32 to vector<16xf32>
    %eq3A_228 = arith.constant 0 : i32
    %eq3A_229 = vector.broadcast %eq3A_228 : i32 to vector<16xi32>
    %eq3A_230 = arith.cmpi eq, %iota3A, %eq3A_229 : vector<16xi32>
    %broadcast_in_dim3A_231 = vector.broadcast %reduce_min3A_31 : i32 to vector<16xi32>
    %select_n3A_232 = arith.select %eq3A_230, %broadcast_in_dim3A_231, %broadcast_in_dim3A_225 : vector<16xi1>, vector<16xi32>
    %eq3A_233 = arith.constant 0 : i32
    %eq3A_234 = vector.broadcast %eq3A_233 : i32 to vector<16xi32>
    %eq3A_235 = arith.cmpi eq, %iota3A, %eq3A_234 : vector<16xi32>
    %broadcast_in_dim3A_236 = vector.broadcast %sub3A_103 : f32 to vector<16xf32>
    %select_n3A_237 = arith.select %eq3A_235, %broadcast_in_dim3A_236, %broadcast_in_dim3A_227 : vector<16xi1>, vector<16xf32>
    %eq3A_238 = arith.constant 1 : i32
    %eq3A_239 = vector.broadcast %eq3A_238 : i32 to vector<16xi32>
    %eq3A_240 = arith.cmpi eq, %iota3A, %eq3A_239 : vector<16xi32>
    %broadcast_in_dim3A_241 = vector.broadcast %reduce_min3A_141 : i32 to vector<16xi32>
    %select_n3A_242 = arith.select %eq3A_240, %broadcast_in_dim3A_241, %select_n3A_232 : vector<16xi1>, vector<16xi32>
    %eq3A_243 = arith.constant 1 : i32
    %eq3A_244 = vector.broadcast %eq3A_243 : i32 to vector<16xi32>
    %eq3A_245 = arith.cmpi eq, %iota3A, %eq3A_244 : vector<16xi32>
    %broadcast_in_dim3A_246 = vector.broadcast %sub3A_223 : f32 to vector<16xf32>
    %select_n3A_247 = arith.select %eq3A_245, %broadcast_in_dim3A_246, %select_n3A_237 : vector<16xi1>, vector<16xf32>
    %swap3A = arith.constant 0 : index
    %swap3A_248 = tpu.vector_load %arg8[%swap3A] {strides = array<i32>} : memref<16xi32, #tpu.memory_space<vmem>>, vector<16xi32>,
    tpu.vector_store %arg8[%swap3A], %select_n3A_242 {strides = array<i32>} : memref<16xi32, #tpu.memory_space<vmem>>, vector<16xi32>,
    %swap3A_249 = arith.constant 0 : index
    %swap3A_250 = tpu.vector_load %arg9[%swap3A_249] {strides = array<i32>} : memref<16xf32, #tpu.memory_space<vmem>>, vector<16xf32>,
    tpu.vector_store %arg9[%swap3A_249], %select_n3A_247 {strides = array<i32>} : memref<16xf32, #tpu.memory_space<vmem>>, vector<16xf32>,
    "tpu.region"() ({
      %run_scoped3A = tpu.sem_alloc : memref<!tpu.dma_semaphore, #tpu.memory_space<semaphore_mem>>
      %dma_start3A = arith.constant 0 : i32
      %dma_start3A_251 = tpu.memref_slice %arg4[%add3A, %dma_start3A] : memref<32x16xi32, #tpu.memory_space<hbm>> -> memref<1x16xi32, #tpu.memory_space<hbm>>
      %dma_start3A_252 = tpu.memref_squeeze %dma_start3A_251 : memref<1x16xi32, #tpu.memory_space<hbm>> -> memref<16xi32, #tpu.memory_space<hbm>>
      %dma_start3A_253 = arith.constant 0 : i32
      %dma_start3A_254 = tpu.memref_slice %arg4[%add3A, %dma_start3A_253] : memref<32x16xi32, #tpu.memory_space<hbm>> -> memref<1x16xi32, #tpu.memory_space<hbm>>
      %dma_start3A_255 = tpu.memref_squeeze %dma_start3A_254 : memref<1x16xi32, #tpu.memory_space<hbm>> -> memref<16xi32, #tpu.memory_space<hbm>>
      tpu.enqueue_dma source(%arg8 : memref<16xi32, #tpu.memory_space<vmem>>) target(%dma_start3A_255 : memref<16xi32, #tpu.memory_space<hbm>>) target_semaphore(%run_scoped3A : memref<!tpu.dma_semaphore, #tpu.memory_space<semaphore_mem>>)
      %dma_wait3A = arith.constant 0 : i32
      %dma_wait3A_256 = tpu.memref_slice %arg4[%add3A, %dma_wait3A] : memref<32x16xi32, #tpu.memory_space<hbm>> -> memref<1x16xi32, #tpu.memory_space<hbm>>
      %dma_wait3A_257 = tpu.memref_squeeze %dma_wait3A_256 : memref<1x16xi32, #tpu.memory_space<hbm>> -> memref<16xi32, #tpu.memory_space<hbm>>
      %dma_wait3A_258 = arith.constant 0 : i32
      %dma_wait3A_259 = tpu.memref_slice %arg4[%add3A, %dma_wait3A_258] : memref<32x16xi32, #tpu.memory_space<hbm>> -> memref<1x16xi32, #tpu.memory_space<hbm>>
      %dma_wait3A_260 = tpu.memref_squeeze %dma_wait3A_259 : memref<1x16xi32, #tpu.memory_space<hbm>> -> memref<16xi32, #tpu.memory_space<hbm>>
      tpu.wait_dma2 semaphore(%run_scoped3A : memref<!tpu.dma_semaphore, #tpu.memory_space<semaphore_mem>>) src(%arg8 : memref<16xi32, #tpu.memory_space<vmem>>) dst(%dma_wait3A_260 : memref<16xi32, #tpu.memory_space<hbm>>)
      tpu.yield
    }) : () -> ()
    "tpu.region"() ({
      %run_scoped3A = tpu.sem_alloc : memref<!tpu.dma_semaphore, #tpu.memory_space<semaphore_mem>>
      %dma_start3A = arith.constant 0 : i32
      %dma_start3A_251 = tpu.memref_slice %arg5[%add3A, %dma_start3A] : memref<32x16xf32, #tpu.memory_space<hbm>> -> memref<1x16xf32, #tpu.memory_space<hbm>>
      %dma_start3A_252 = tpu.memref_squeeze %dma_start3A_251 : memref<1x16xf32, #tpu.memory_space<hbm>> -> memref<16xf32, #tpu.memory_space<hbm>>
      %dma_start3A_253 = arith.constant 0 : i32
      %dma_start3A_254 = tpu.memref_slice %arg5[%add3A, %dma_start3A_253] : memref<32x16xf32, #tpu.memory_space<hbm>> -> memref<1x16xf32, #tpu.memory_space<hbm>>
      %dma_start3A_255 = tpu.memref_squeeze %dma_start3A_254 : memref<1x16xf32, #tpu.memory_space<hbm>> -> memref<16xf32, #tpu.memory_space<hbm>>
      tpu.enqueue_dma source(%arg9 : memref<16xf32, #tpu.memory_space<vmem>>) target(%dma_start3A_255 : memref<16xf32, #tpu.memory_space<hbm>>) target_semaphore(%run_scoped3A : memref<!tpu.dma_semaphore, #tpu.memory_space<semaphore_mem>>)
      %dma_wait3A = arith.constant 0 : i32
      %dma_wait3A_256 = tpu.memref_slice %arg5[%add3A, %dma_wait3A] : memref<32x16xf32, #tpu.memory_space<hbm>> -> memref<1x16xf32, #tpu.memory_space<hbm>>
      %dma_wait3A_257 = tpu.memref_squeeze %dma_wait3A_256 : memref<1x16xf32, #tpu.memory_space<hbm>> -> memref<16xf32, #tpu.memory_space<hbm>>
      %dma_wait3A_258 = arith.constant 0 : i32
      %dma_wait3A_259 = tpu.memref_slice %arg5[%add3A, %dma_wait3A_258] : memref<32x16xf32, #tpu.memory_space<hbm>> -> memref<1x16xf32, #tpu.memory_space<hbm>>
      %dma_wait3A_260 = tpu.memref_squeeze %dma_wait3A_259 : memref<1x16xf32, #tpu.memory_space<hbm>> -> memref<16xf32, #tpu.memory_space<hbm>>
      tpu.wait_dma2 semaphore(%run_scoped3A : memref<!tpu.dma_semaphore, #tpu.memory_space<semaphore_mem>>) src(%arg9 : memref<16xf32, #tpu.memory_space<vmem>>) dst(%dma_wait3A_260 : memref<16xf32, #tpu.memory_space<hbm>>)
      tpu.yield
    }) : () -> ()
    return
  }
}

module attributes {stable_mosaic.version = 14 : i64} {
  func.func @_tc_body(%arg0: i32, %arg1: memref<1x4096x128xf32, #tpu.memory_space<vmem>>, %arg2: memref<1x4096x128xf32, #tpu.memory_space<vmem>>, %arg3: memref<8192xf32, #tpu.memory_space<vmem>>, %arg4: memref<128x64xf32, #tpu.memory_space<vmem>>, %arg5: memref<64x1xf32, #tpu.memory_space<vmem>>, %arg6: memref<64x1xf32, #tpu.memory_space<vmem>>, %arg7: memref<1x1xf32, #tpu.memory_space<vmem>>, %arg8: memref<8192xf32, #tpu.memory_space<vmem>>, %arg9: memref<8192xf32, #tpu.memory_space<vmem>>) attributes {dimension_semantics = [#tpu.dimension_semantics<parallel>], iteration_bounds = array<i64: 32>, scalar_prefetch = 0 : i64, scratch_operands = 0 : i64, tpu.core_type = #tpu.core_type<tc>, window_params = [{transform_indices = @transform_0, window_bounds = array<i64: 1, 4096, 128>}, {transform_indices = @transform_1, window_bounds = array<i64: 1, 4096, 128>}, {transform_indices = @transform_2, window_bounds = array<i64: 8192>}, {pipeline_mode = #tpu.pipeline_mode<synchronous>, transform_indices = @transform_3, window_bounds = array<i64: 128, 64>}, {pipeline_mode = #tpu.pipeline_mode<synchronous>, transform_indices = @transform_4, window_bounds = array<i64: 64, 1>}, {pipeline_mode = #tpu.pipeline_mode<synchronous>, transform_indices = @transform_5, window_bounds = array<i64: 64, 1>}, {pipeline_mode = #tpu.pipeline_mode<synchronous>, transform_indices = @transform_6, window_bounds = array<i64: 1, 1>}, {transform_indices = @transform_7, window_bounds = array<i64: 8192>}, {transform_indices = @transform_8, window_bounds = array<i64: 8192>}]} {
    %get3A = arith.constant 0 : index
    %get3A_0 = arith.constant 0 : index
    %get3A_1 = arith.constant 0 : index
    %get3A_2 = vector.load %arg1[%get3A, %get3A_0, %get3A_1] : memref<1x4096x128xf32, #tpu.memory_space<vmem>>, vector<1x4096x128xf32>
    %reshape3A = vector.shape_cast %get3A_2 : vector<1x4096x128xf32> to vector<4096x128xf32>
    %get3A_3 = arith.constant 0 : index
    %get3A_4 = arith.constant 0 : index
    %get3A_5 = vector.load %arg4[%get3A_3, %get3A_4] : memref<128x64xf32, #tpu.memory_space<vmem>>, vector<128x64xf32>
    %dot_general3A = arith.constant dense<0.000000e+00> : vector<64x4096xf32>
    %dot_general3A_6 = tpu.matmul %get3A_5, %reshape3A, %dot_general3A {dimension_numbers = #tpu.dot_dimension_numbers<[0], [1], [1], [0], [0, 1, 1, 0], [], []>, transpose_lhs_hint = false} : vector<128x64xf32>, vector<4096x128xf32>, vector<64x4096xf32> -> vector<64x4096xf32>
    %get3A_7 = arith.constant 0 : index
    %get3A_8 = arith.constant 0 : index
    %get3A_9 = vector.load %arg5[%get3A_7, %get3A_8] : memref<64x1xf32, #tpu.memory_space<vmem>>, vector<64x1xf32>
    %add3A = vector.broadcast %get3A_9 : vector<64x1xf32> to vector<64x4096xf32>
    %add3A_10 = arith.addf %dot_general3A_6, %add3A : vector<64x4096xf32>
    %max3A = arith.constant 0.000000e+00 : f32
    %max3A_11 = vector.broadcast %max3A : f32 to vector<64x4096xf32>
    %max3A_12 = arith.maximumf %add3A_10, %max3A_11 : vector<64x4096xf32>
    %get3A_13 = arith.constant 0 : index
    %get3A_14 = arith.constant 0 : index
    %get3A_15 = vector.load %arg6[%get3A_13, %get3A_14] : memref<64x1xf32, #tpu.memory_space<vmem>>, vector<64x1xf32>
    %dot_general3A_16 = arith.constant dense<0.000000e+00> : vector<1x4096xf32>
    %dot_general3A_17 = tpu.matmul %get3A_15, %max3A_12, %dot_general3A_16 {dimension_numbers = #tpu.dot_dimension_numbers<[0], [0], [1], [1], [0, 1, 1, 1], [], []>, transpose_lhs_hint = false} : vector<64x1xf32>, vector<64x4096xf32>, vector<1x4096xf32> -> vector<1x4096xf32>
    %get3A_18 = arith.constant 0 : index
    %get3A_19 = arith.constant 0 : index
    %get3A_20 = vector.load %arg7[%get3A_18, %get3A_19] : memref<1x1xf32, #tpu.memory_space<vmem>>, vector<1x1xf32>
    %get3A_21 = vector.extract %get3A_20[0, 0] : f32 from vector<1x1xf32>
    %add3A_22 = vector.broadcast %get3A_21 : f32 to vector<1x4096xf32>
    %add3A_23 = arith.addf %dot_general3A_17, %add3A_22 : vector<1x4096xf32>
    %reshape3A_24 = vector.shape_cast %add3A_23 : vector<1x4096xf32> to vector<4096xf32>
    %swap3A = arith.constant 0 : index
    %swap3A_25 = vector.load %arg8[%swap3A] : memref<8192xf32, #tpu.memory_space<vmem>>, vector<4096xf32>
    tpu.vector_store %arg8[%swap3A], %reshape3A_24 {strides = array<i32>} : memref<8192xf32, #tpu.memory_space<vmem>>, vector<4096xf32>,
    %get3A_26 = arith.constant 0 : index
    %get3A_27 = arith.constant 0 : index
    %get3A_28 = arith.constant 0 : index
    %get3A_29 = vector.load %arg2[%get3A_26, %get3A_27, %get3A_28] : memref<1x4096x128xf32, #tpu.memory_space<vmem>>, vector<1x4096x128xf32>
    %reshape3A_30 = vector.shape_cast %get3A_29 : vector<1x4096x128xf32> to vector<4096x128xf32>
    %get3A_31 = arith.constant 0 : index
    %get3A_32 = arith.constant 0 : index
    %get3A_33 = vector.load %arg4[%get3A_31, %get3A_32] : memref<128x64xf32, #tpu.memory_space<vmem>>, vector<128x64xf32>
    %dot_general3A_34 = arith.constant dense<0.000000e+00> : vector<64x4096xf32>
    %dot_general3A_35 = tpu.matmul %get3A_33, %reshape3A_30, %dot_general3A_34 {dimension_numbers = #tpu.dot_dimension_numbers<[0], [1], [1], [0], [0, 1, 1, 0], [], []>, transpose_lhs_hint = false} : vector<128x64xf32>, vector<4096x128xf32>, vector<64x4096xf32> -> vector<64x4096xf32>
    %get3A_36 = arith.constant 0 : index
    %get3A_37 = arith.constant 0 : index
    %get3A_38 = vector.load %arg5[%get3A_36, %get3A_37] : memref<64x1xf32, #tpu.memory_space<vmem>>, vector<64x1xf32>
    %add3A_39 = vector.broadcast %get3A_38 : vector<64x1xf32> to vector<64x4096xf32>
    %add3A_40 = arith.addf %dot_general3A_35, %add3A_39 : vector<64x4096xf32>
    %max3A_41 = arith.constant 0.000000e+00 : f32
    %max3A_42 = vector.broadcast %max3A_41 : f32 to vector<64x4096xf32>
    %max3A_43 = arith.maximumf %add3A_40, %max3A_42 : vector<64x4096xf32>
    %get3A_44 = arith.constant 0 : index
    %get3A_45 = arith.constant 0 : index
    %get3A_46 = vector.load %arg6[%get3A_44, %get3A_45] : memref<64x1xf32, #tpu.memory_space<vmem>>, vector<64x1xf32>
    %dot_general3A_47 = arith.constant dense<0.000000e+00> : vector<1x4096xf32>
    %dot_general3A_48 = tpu.matmul %get3A_46, %max3A_43, %dot_general3A_47 {dimension_numbers = #tpu.dot_dimension_numbers<[0], [0], [1], [1], [0, 1, 1, 1], [], []>, transpose_lhs_hint = false} : vector<64x1xf32>, vector<64x4096xf32>, vector<1x4096xf32> -> vector<1x4096xf32>
    %get3A_49 = arith.constant 0 : index
    %get3A_50 = arith.constant 0 : index
    %get3A_51 = vector.load %arg7[%get3A_49, %get3A_50] : memref<1x1xf32, #tpu.memory_space<vmem>>, vector<1x1xf32>
    %get3A_52 = vector.extract %get3A_51[0, 0] : f32 from vector<1x1xf32>
    %add3A_53 = vector.broadcast %get3A_52 : f32 to vector<1x4096xf32>
    %add3A_54 = arith.addf %dot_general3A_48, %add3A_53 : vector<1x4096xf32>
    %reshape3A_55 = vector.shape_cast %add3A_54 : vector<1x4096xf32> to vector<4096xf32>
    %swap3A_56 = arith.constant 4096 : index
    %swap3A_57 = vector.load %arg8[%swap3A_56] : memref<8192xf32, #tpu.memory_space<vmem>>, vector<4096xf32>
    tpu.vector_store %arg8[%swap3A_56], %reshape3A_55 {strides = array<i32>} : memref<8192xf32, #tpu.memory_space<vmem>>, vector<4096xf32>,
    %get3A_58 = arith.constant 0 : index
    %get3A_59 = vector.load %arg3[%get3A_58] : memref<8192xf32, #tpu.memory_space<vmem>>, vector<8192xf32>
    %log3A = math.log %get3A_59 : vector<8192xf32>
    %neg3A = arith.constant 0.000000e+00 : f32
    %neg3A_60 = vector.broadcast %neg3A : f32 to vector<8192xf32>
    %neg3A_61 = arith.subf %neg3A_60, %log3A : vector<8192xf32>
    %log3A_62 = math.log %neg3A_61 : vector<8192xf32>
    %neg3A_63 = arith.constant 0.000000e+00 : f32
    %neg3A_64 = vector.broadcast %neg3A_63 : f32 to vector<8192xf32>
    %neg3A_65 = arith.subf %neg3A_64, %log3A_62 : vector<8192xf32>
    %swap3A_66 = arith.constant 0 : index
    %swap3A_67 = vector.load %arg9[%swap3A_66] : memref<8192xf32, #tpu.memory_space<vmem>>, vector<8192xf32>
    tpu.vector_store %arg9[%swap3A_66], %neg3A_65 {strides = array<i32>} : memref<8192xf32, #tpu.memory_space<vmem>>, vector<8192xf32>,
    return
  }
  func.func @transform_0(%arg0: i32) -> (i32, i32, i32) {
    %mul3A = arith.constant 2 : i32
    %mul3A_0 = arith.muli %mul3A, %arg0 : i32
    %c0_i32 = arith.constant 0 : i32
    %c0_i32_1 = arith.constant 0 : i32
    %c0_i32_2 = arith.constant 0 : i32
    return %mul3A_0, %c0_i32, %c0_i32_1 : i32, i32, i32
  }
  func.func @transform_1(%arg0: i32) -> (i32, i32, i32) {
    %mul3A = arith.constant 2 : i32
    %mul3A_0 = arith.muli %mul3A, %arg0 : i32
    %add3A = arith.constant 1 : i32
    %add3A_1 = arith.addi %mul3A_0, %add3A : i32
    %c0_i32 = arith.constant 0 : i32
    %c0_i32_2 = arith.constant 0 : i32
    %c0_i32_3 = arith.constant 0 : i32
    return %add3A_1, %c0_i32, %c0_i32_2 : i32, i32, i32
  }
  func.func @transform_2(%arg0: i32) -> i32 {
    %c0_i32 = arith.constant 0 : i32
    return %arg0 : i32
  }
  func.func @transform_3(%arg0: i32) -> (i32, i32) {
    %c0_i32 = arith.constant 0 : i32
    %c0_i32_0 = arith.constant 0 : i32
    %c0_i32_1 = arith.constant 0 : i32
    return %c0_i32, %c0_i32_0 : i32, i32
  }
  func.func @transform_4(%arg0: i32) -> (i32, i32) {
    %c0_i32 = arith.constant 0 : i32
    %c0_i32_0 = arith.constant 0 : i32
    %c0_i32_1 = arith.constant 0 : i32
    return %c0_i32, %c0_i32_0 : i32, i32
  }
  func.func @transform_5(%arg0: i32) -> (i32, i32) {
    %c0_i32 = arith.constant 0 : i32
    %c0_i32_0 = arith.constant 0 : i32
    %c0_i32_1 = arith.constant 0 : i32
    return %c0_i32, %c0_i32_0 : i32, i32
  }
  func.func @transform_6(%arg0: i32) -> (i32, i32) {
    %c0_i32 = arith.constant 0 : i32
    %c0_i32_0 = arith.constant 0 : i32
    %c0_i32_1 = arith.constant 0 : i32
    return %c0_i32, %c0_i32_0 : i32, i32
  }
  func.func @transform_7(%arg0: i32) -> i32 {
    %c0_i32 = arith.constant 0 : i32
    return %arg0 : i32
  }
  func.func @transform_8(%arg0: i32) -> i32 {
    %c0_i32 = arith.constant 0 : i32
    return %arg0 : i32
  }
}

</mosaic_0001>

<sc_bundles>
// kernel: kernel.4.cloned.1.call-start
scs
__scs_entry_jumppad:
0x0: {  	(pc) =	sbr.rel $0x88, $3  }
0x1: {  	(tag) =	ssettag $0x0;
	lr =	simm.s32 $0x1  }
0x2: {  	[smem:$0x3F9B] =	sst lr;
	_ =	strace $0xD0000000  }
0x3: {  	_ = 	snop  }
0x4: {  	_ = 	snop  }
0x5: {  	_ = 	snop  }
0x6: {  	_ = 	snop  }
0x7: {  	_ = 	snop  }
__scs_overlays_trampoline_lowered:
0x8: {  	[smem:$0x3FAA] =	sst s0  }
0x9: {  	[smem:$0x3FAB] =	sst s1  }
0xa: {  	[smem:$0x3FAC] =	sst s2  }
0xb: {  	[smem:$0x3FAD] =	sst s3  }
0xc: {  	[smem:$0x3FAE] =	sst s4  }
0xd: {  	[smem:$0x3FAF] =	sst s5  }
0xe: {  	[smem:$0x3FB0] =	sst s6  }
0xf: {  	[smem:$0x3FB1] =	sst s7  }
0x10: {  	[smem:$0x3FB2] =	sst s8  }
0x11: {  	[smem:$0x3FB3] =	sst s9;
	s0 =	simm.s32 @!p0 $0x0  }
0x12: {  	s1 =	sld [smem:$0x3F99];
	s0 =	simm.s32 @p0 $0x1  }
0x13: {  	[smem:$0x3FB4] =	sst s0;
	s0 =	simm.s32 @!p1 $0x0  }
0x14: {  	s2 =	sld [smem:$0x3F98];
	s0 =	simm.s32 @p1 $0x1  }
0x15: {  	[smem:$0x3FB5] =	sst s0;
	s0 =	simm.s32 @!p2 $0x0  }
0x16: {  	s3 =	sld [smem:$0x3FDB];
	s0 =	simm.s32 @p2 $0x1  }
0x17: {  	s4 =	simm.s32 $0x1BF5;
	[smem:$0x3FB7] =	sst s0  }
0x18: {  	s0 =	sld [smem:$0x3F9A];
	_ =	swait.ge [sflag:s4], $0x0  }
0x19: {  	s7 =	sld [smem:$0x3F9B]  }
0x1a: {  	s8 =	sadd.s32 $0xFFFFE003, lr  }
0x1b: {  	s9 =	sadd.s32 $0xFFFFFEF7, lr;
	s5 =	simm.s32 $0xFFFFFFFF;
	p2 =	slt.u32 s8, $0xFFFFF086  }
0x1c: {  	p1 =	slt.u32 s9, $0xF7A;
	s5 =	simm.s32 @!p2 $0x0  }
0x1d: {  	s5 =	simm.s32 @p1 $0x1;
	p0 =	seq.s32 s7, s2  }
0x1e: {  	s7 =	smul.u32 @!p0 $0xF7A, s2;
	p2 =	seq.s32 @!p0 s5, $0x0  }
0x1f: {  	s9 =	smul.u32 $0xF7A, s1;
	s8 =	simm.s32 @!p0 $0x1BF5;
	p2 =	por !p2, p0  }
0x20: {  	[sflag:s8] =	ssyncset.s32 @!p0 $0xFFFFF086;
	s6 =	sadd.s32 @!p0 s3, s7;
	s7 =	simm.s32 @!p0 $0x108  }
0x21: {  	s3 =	sadd.s32 s3, s9;
	s6 =	sadd.s32 @!p0 $0x88, s6;
	s7 =	simm.s32 @p2 $0x1082  }
0x22: {  	[simem:s7], [sflag:s8] =	dma.local @!p0 [hbm:s6], $0xF7A  }
0x23: {  	s9 =	sor.u32 $0xD0000000, s2;
	s6 =	simm.s32 $0x108;
	_ =	swait.ge @!p0 [sflag:s8], $0x0  }
0x24: {  	s3 =	sadd.s32 $0x88, s3;
	s6 =	simm.s32 @!p1 $0x1082;
	[sflag:s4] =	ssyncset.s32 $0xFFFFF086  }
0x25: {  	[simem:s6], [sflag:s4] =	dma.local [hbm:s3], $0xF7A  }
0x26: {  	[smem:$0x3F9B] =	sst s1;
	(tag) =	ssettag s2;
	_ =	strace s9  }
0x27: {  	s1 =	sld [smem:$0x3FAB]  }
0x28: {  	s2 =	sld [smem:$0x3FAC]  }
0x29: {  	s4 =	sld [smem:$0x3FAE]  }
0x2a: {  	p0 =	seq.s32 s5, $0x0;
	s5 =	sld [smem:$0x3FAF]  }
0x2b: {  	s6 =	sld [smem:$0x3FB0]  }
0x2c: {  	s7 =	sld [smem:$0x3FB1]  }
0x2d: {  	s3 =	simm.s32 $0x108;
	s8 =	sld [smem:$0x3FB2]  }
0x2e: {  	s3 =	simm.s32 @!p0 $0x1082;
	s9 =	sld [smem:$0x3FB3]  }
0x2f: {  	lr =	sadd.s32 s0, s3;
	s0 =	sld [smem:$0x3FAA]  }
0x30: {  	s3 =	sld [smem:$0x3FAD]  }
0x31: {  	[smem:$0x3FB6] =	sst s10  }
0x32: {  	s10 =	sld [smem:$0x3FB4];
	_ =	sdelay $0x3  }
0x33: {  	p0 =	seq.s32 s10, $0x1;
	s10 =	sld [smem:$0x3FB6];
	_ =	sdelay $0x3  }
0x34: {  	[smem:$0x3FB6] =	sst s10  }
0x35: {  	s10 =	sld [smem:$0x3FB5];
	_ =	sdelay $0x3  }
0x36: {  	p1 =	seq.s32 s10, $0x1;
	s10 =	sld [smem:$0x3FB6];
	_ =	sdelay $0x3  }
0x37: {  	[smem:$0x3FB6] =	sst s10  }
0x38: {  	s10 =	sld [smem:$0x3FB7]  }
0x39: {  	_ = 	snop;
	(pc) =	sbr.ind lr, $3  }
0x3a: {  	_ = 	snop  }
0x3b: {  	_ = 	snop  }
0x3c: {  	p2 =	seq.s32 s10, $0x1;
	s10 =	sld [smem:$0x3FB6]  }
0x3d: {  	_ =	shalt  }
0x3e: {  	_ =	shalt  }
0x3f: {  	_ =	shalt  }
0x40: {  	_ =	shalt  }
0x41: {  	_ =	shalt  }
0x42: {  	_ =	shalt  }
0x43: {  	_ =	shalt  }
0x44: {  	_ =	shalt  }
0x45: {  	_ =	shalt  }
0x46: {  	_ =	shalt  }
0x47: {  	_ =	shalt  }
0x48: {  	_ =	shalt  }
0x49: {  	_ =	shalt  }
0x4a: {  	_ =	shalt  }
0x4b: {  	_ =	shalt  }
0x4c: {  	_ =	shalt  }
0x4d: {  	_ =	shalt  }
0x4e: {  	_ =	shalt  }
0x4f: {  	_ =	shalt  }
0x50: {  	_ =	shalt  }
0x51: {  	_ =	shalt  }
0x52: {  	_ =	shalt  }
0x53: {  	_ =	shalt  }
0x54: {  	_ =	shalt  }
0x55: {  	_ =	shalt  }
0x56: {  	_ =	shalt  }
0x57: {  	_ =	shalt  }
0x58: {  	_ =	shalt  }
0x59: {  	_ =	shalt  }
0x5a: {  	_ =	shalt  }
0x5b: {  	_ =	shalt  }
0x5c: {  	_ =	shalt  }
0x5d: {  	_ =	shalt  }
0x5e: {  	_ =	shalt  }
0x5f: {  	_ =	shalt  }
0x60: {  	_ =	shalt  }
0x61: {  	_ =	shalt  }
0x62: {  	_ =	shalt  }
0x63: {  	_ =	shalt  }
0x64: {  	_ =	shalt  }
0x65: {  	_ =	shalt  }
0x66: {  	_ =	shalt  }
0x67: {  	_ =	shalt  }
0x68: {  	_ =	shalt  }
0x69: {  	_ =	shalt  }
0x6a: {  	_ =	shalt  }
0x6b: {  	_ =	shalt  }
0x6c: {  	_ =	shalt  }
0x6d: {  	_ =	shalt  }
0x6e: {  	_ =	shalt  }
0x6f: {  	_ =	shalt  }
0x70: {  	_ =	shalt  }
0x71: {  	_ =	shalt  }
0x72: {  	_ =	shalt  }
0x73: {  	_ =	shalt  }
0x74: {  	_ =	shalt  }
0x75: {  	_ =	shalt  }
0x76: {  	_ =	shalt  }
0x77: {  	_ =	shalt  }
0x78: {  	_ =	shalt  }
0x79: {  	_ =	shalt  }
0x7a: {  	_ =	shalt  }
0x7b: {  	_ =	shalt  }
0x7c: {  	_ =	shalt  }
0x7d: {  	_ =	shalt  }
0x7e: {  	_ =	shalt  }
0x7f: {  	_ =	shalt  }
0x80: {  	_ =	shalt  }
0x81: {  	_ =	shalt  }
0x82: {  	_ =	shalt  }
0x83: {  	_ =	shalt  }
0x84: {  	_ =	shalt  }
0x85: {  	_ =	shalt  }
0x86: {  	_ =	shalt  }
0x87: {  	_ =	shalt  }
.Lfunc_end0:
.L_simem_size_0:
called_computation_lowered:
.L_overlay_start_0:
0x88: {  	s2 =	sld [smem:$0x3FD9]  }
0x89: {  	s3 =	sld [smem:$0x3FFE];
	_ =	sdelay $0x1  }
0x8a: {  	s1 =	srdreg.scid  }
0x8b: {  	s0 =	sand.u32 $0x1, s1  }
0x8c: {  	s16 =	sshll.u32 s0, $0xA;
	s2 =	sadd.s32 s3, s2  }
0x8d: {  	s2 =	sadd.s32 s2, s16  }
0x8e: {  	[smem:$0x3FC2] =	sst s2  }
0x8f: {  	_ = 	snop  }
0x90: {  	(tm) =	ssettm $0x1  }
0x91: {  	s17 =	sld [smem:$0x3FFB];
	_ =	sdelay $0x3  }
0x92: {  	_ =	strace s17  }
0x93: {  	s2 =	sld [smem:$0x3FFC];
	_ =	sdelay $0x3  }
0x94: {  	_ =	strace s2  }
0x95: {  	s2 =	sld [smem:$0x3FFD];
	_ =	sdelay $0x3  }
0x96: {  	_ =	strace s2  }
0x97: {  	_ =	strace $0x8FFFFFFF  }
0x98: {  	s18 =	sld [smem:$0x3FDB];
	_ =	sdelay $0x1  }
0x99: {  	s19 =	simm.s32 $_scs_section_size  }
0x9a: {  	s4 =	simm.s32 $_size__tile_overlayer_lowered;
	s5 =	simm.s32 $_tile_overlayer_lowered  }
0x9b: {  	s22 =	simm.s32 $0x1BFF;
	s21 =	sshll.u32 s5, $0x1;
	s2 =	sadd.s32 s19, s18  }
0x9c: {  	s6 =	simm.s32 $0x0;
	s20 =	sshll.u32 s4, $0x1;
	s4 =	sadd.s32 s21, s2  }
0x9d: {  	[timem:s6], [sflag:s22] =	dma.local [hbm:s4], s20  }
0x9e: {  	_ =	swait.ge [sflag:s22], s20  }
0x9f: {  	s3 =	ssub.s32 $0x0, s20;
	[sflag:s22] =	ssyncset.done $0x0  }
0xa0: {  	[sflag:s22] =	ssyncadd.s32 s3;
	_ =	sdelay $0x1  }
0xa1: {  	s23 =	simm.s32 $0x1B8B  }
0xa2: {  	_ =	swait.ge [sflag:s23], $0x1  }
0xa3: {  	[sflag:s23] =	ssyncset.done $0x0  }
0xa4: {  	s25 =	simm.s32 $0x1B8E;
	s24 =	sld [smem:$0x3FFE];
	[sflag:s23] =	ssyncadd.s32 $0xFFFFFFFF  }
0xa5: {  	s26 =	simm.s32 $execute0_lowered;
	[smem:$0x3FD2] =	sst s25  }
0xa6: {  	s4 =	sshll.u32 s26, $0x1;
	_ =	strace $0x80000046;
	[dreg:$0x1] =	wrdreg $0xFFFFFFFF  }
0xa7: {  	s28 =	simm.s32 $_size_execute0_lowered;
	s2 =	sadd.s32 s2, s4;
	[dreg:$0x0] =	wrdreg $0x0  }
0xa8: {  	s4 =	sshll.u32 s28, $0x1;
	[dreg:$0x2] =	wrdreg s2  }
0xa9: {  	[dreg:$0x3] =	wrdreg s4  }
0xaa: {  	[dreg:$0x4] =	wrdreg $0xC0  }
0xab: {  	_ =	task [dreg:s6], $0x5FFFF  }
0xac: {  	[dreg:$0x1] =	wrdreg $0xFFFFFFFF  }
0xad: {  	[dreg:$0x0] =	wrdreg $0x60  }
0xae: {  	[dreg:$0x2] =	wrdreg s24  }
0xaf: {  	[dreg:$0x3] =	wrdreg $0x9  }
0xb0: {  	_ =	task.clear_ibuf [dreg:s6], $0x4FFFF;
	_ =	strace $0x90000046  }
0xb1: {  	s29 =	simm.s32 $0x9;
	_ =	strace $0x80000048  }
0xb2: {  	_ =	swait.ge [sflag:s29], $0x1  }
0xb3: {  	[sflag:s29] =	ssyncadd.s32 $0xFFFFFFFF  }
0xb4: {  	_ =	strace $0x90000048  }
0xb5: {  	_ =	sfence  }
0xb6: {  	s30 =	sld [smem:$0x0];
	_ =	sdelay $0x2  }
0xb7: {  	s31 =	sshll.u32 s1, $0xD;
	s1 =	sshrl.u32 s1, $0x2  }
0xb8: {  	s3 =	sand.u32 $0x4000, s31;
	s1 =	sadd.s32 s1, s30  }
0xb9: {  	s0 =	sor.u32 s3, s0;
	s1 =	sshll.u32 s1, $0x11  }
0xba: {  	s0 =	sor.u32 s1, s0  }
0xbb: {  	s0 =	sadd.s32 $0x8F2B, s0  }
0xbc: {  	[sflag:s0] =	ssyncadd.remote.s32 $0x1  }
0xbd: {  	_ =	sfence.sel $0xFFFF  }
0xbe: {  	[dreg:$0x0] =	wrdreg $0xFFFFFFFF;
	(pc) =	sbr.abs _section_cstart, $3  }
0xbf: {  	[dreg:$0x1] =	wrdreg $0xFFFFFFFF  }
0xc0: {  	_ =	task.clear_ibuf [dreg:s6], $0x2FFFF;
	_ =	strace $0x9FFFFFFF  }
0xc1: {  	(tm) =	ssettm $0x7FFFFFFF  }
tec
execute0_lowered:
.L_overlay_start_1:
0x0: {  	(tag) =	ssettag $0x1  }
0x1: {  	s3 =	rddreg [dreg:$0x0]  }
0x2: {  	s0 =	rddreg [dreg:$0x1];
	s2 =	simm.s32 $0x0;
	s4 =	srdreg.scid  }
0x3: {  	s1 =	stileid.u32;
	s11 =	simm.s32 $0x1000;
	s12 =	simm.s32 $0x2000  }
0x4: {  	s13 =	simm.s32 $0x2080;
	s14 =	simm.s32 $0x0;
	[smem:$0x7FF] =	sst s2  }
0x5: {  	s5 =	sadd.s32 $0xE00, s3;
	s4 =	sand.u32 $0x1, s4;
	s6 =	sshll.u32 s1, $0x1  }
0x6: {  	s7 =	sadd.s32 $0x8E00, s3;
	s6 =	sor.u32 s4, s6;
	s4 =	ssub.s32 $0x2, s4  }
0x7: {  	_ =	strace $0x80000047;
	s8 =	sshll.u32 s6, $0x4;
	s9 =	sshrl.u32 s4, $0x1  }
0x8: {  	s6 =	sshll.u32 s6, $0xA;
	s8 =	sadd.s32 s8, s3;
	s9 =	ssub.s32 s4, s9  }
0x9: {  	s10 =	sor.u32 $0x200, s6;
	s3 =	sadd.s32 s5, s6;
	s4 =	sadd.s32 s7, s6  }
0xa: {  	s5 =	sadd.s32 s5, s10;
	s6 =	sadd.s32 s7, s10;
	s7 =	sadd.s32 $0x10E00, s8  }
0xb: {  	v0 =	vlaneseq.u32;
	vm0 =	vcmask $0x300;
	vm1 =	vcmask $0x704;
	s8 =	sadd.s32 $0x11000, s8;
	s9 =	smax.u32 s9, $0x1;
	s10 =	simm.s32 $0x1  }
.LBB2_1:
0xc: {  	[tilespmem:s2], [sflag:$0x1] =	stream.linear.gather [hbm4b:s3+s2], $0x1000, $0x38;
	[tilespmem:$0x2100] =	vst v63  }
0xd: {  	_ =	swait.ge [sflag:s10], $0x1000  }
0xe: {  	[sflag:s10] =	ssyncset.done $0x0  }
0xf: {  	[sflag:s10] =	ssyncadd.s32 $0xFFFFF000  }
0x10: {  	[tilespmem:s11], [sflag:$0x1] =	stream.linear.gather [hbm4b:s4+s2], $0x1000, $0x38;
	[tilespmem:$0x2100] =	vst v63  }
0x11: {  	_ =	swait.ge [sflag:s10], $0x1000  }
0x12: {  	[sflag:s10] =	ssyncset.done $0x0  }
0x13: {  	s15 =	simm.s32 $0x10;
	[sflag:s10] =	ssyncadd.s32 $0xFFFFF000  }
0x14: {  	v7 =	vld [tilespmem:s15+$0xFFFFFFF0];
	_ =	sdelay $0x1  }
0x15: {  	v2 =	vld [tilespmem:s15+$0x0];
	_ =	sdelay $0x1  }
0x16: {  	v8 =	vimm.f32 $-1.000000020e+30  }
0x17: {  	v1 =	vmax.f32 v8, v7  }
0x18: {  	v5 =	vsub.f32 v8, v1  }
0x19: {  	s30 =	simm.s32 $0x30;
	v10 =	vmax.f32 v1, v2  }
0x1a: {  	v4 =	vld [tilespmem:s30+$0xFFFFFFF0];
	v12 =	vsub.f32 v1, v10;
	v1 =	vsub.f32 v7, v1;
	v5 =	vmul.f32 $1.442695020e+00, v5  }
0x1b: {  	v3 =	vld [tilespmem:s30+$0x0]  }
0x1c: {  	s31 =	simm.s32 $0x50;
	v1 =	vmul.f32 $1.442695020e+00, v1;
	(erf) = vpow2.f32 v5  }
0x1d: {  	v14 =	vsub.f32 v2, v10;
	v12 =	vmul.f32 $1.442695020e+00, v12;
	v5 =	vld [tilespmem:s31+$0xFFFFFFF0]  }
0x1e: {  	v6 =	vld [tilespmem:s31+$0x0];
	(erf) = vpow2.f32 v1  }
0x1f: {  	v11 =	vmax.f32 v10, v4;
	v14 =	vmul.f32 $1.442695020e+00, v14;
	(erf) = vpow2.f32 v12  }
0x20: {  	v13 =	vmax.f32 v11, v3;
	v10 =	vsub.f32 v10, v11  }
0x21: {  	s17 =	simm.s32 $0x1010;
	v17 =	vsub.f32 v11, v13;
	v11 =	vsub.f32 v4, v11;
	(erf) = vpow2.f32 v14  }
0x22: {  	v9 =	vimm.s32 $0x0;
	v15 =	vld [tilespmem:s17+$0xFFFFFFF0];
	v19 =	vsub.f32 v3, v13;
	v21 =	vmax.f32 v13, v5  }
0x23: {  	v12 =	vmul.f32 $1.442695020e+00, v10;
	v1 =	vmax.f32 v21, v6;
	v16 =	vsub.f32 v13, v21;
	v13 =	vld [tilespmem:s17+$0x0]  }
0x24: {  	v20 =	vimm.f32 $0.0e+00;
	v14 =	vsub.f32 v5, v21;
	v18 =	vsub.f32 v21, v1  }
0x25: {  	s16 =	simm.s32 $0x20;
	s18 =	simm.s32 $0x70;
	v10 =	vsub.f32 v6, v1;
	v21 =	vmul.f32 $1.442695020e+00, v11;
	v11 =	vpop (erf);
	(erf) = vpow2.f32 v12  }
0x26: {  	s19 =	simm.s32 $0x60;
	s20 =	simm.s32 $0x10;
	s15 =	simm.s32 $0x40;
	v12 =	vor.u32 s2, v0;
	v20 =	vmul.f32 v11, v20;
	v11 =	vimm.f32 $-1.000000020e+30  }
.LBB2_2:
0x27: {  	v22 =	vld [tilespmem:s18+$0xFFFFFFF0];
	p0 =	sne.s32 s19, $0xFE0;
	v26 =	vmul.f32 $1.442695020e+00, v17;
	v15 =	vadd.f32 v15, v7;
	v23 =	vor.u32 s20, v0;
	v24 =	vpop (erf);
	s20 =	smov.u32 s16;
	s16 =	smov.u32 s15  }
0x28: {  	s15 =	smov.u32 s19;
	v25 =	vld [tilespmem:s18+$0x0];
	(erf) = vpow2.f32 v21;
	v27 =	vadd.f32 v20, v24;
	v13 =	vadd.f32 v13, v2;
	v21 =	vpop (erf)  }
0x29: {  	v19 =	vmul.f32 $1.442695020e+00, v19;
	v17 =	vmovc v18;
	v24 =	vmovc v1;
	(erf) = vpow2.f32 v26;
	vm2 =	vgt.f32 v15, v8  }
0x2a: {  	v8 =	vsel vm2, v15, v8;
	v11 =	vsel vm2, v7, v11;
	v18 =	vmul.f32 v21, v27;
	v20 =	vpop (erf)  }
0x2b: {  	s17 =	sadd.s32 $0x20, s17;
	v9 =	vsel vm2, v12, v9;
	v7 =	vmovc v4;
	v4 =	vmovc v5;
	(erf) = vpow2.f32 v19;
	vm2 =	vgt.f32 v13, v8  }
.Ltmp0:
0x2c: {  	v12 =	vmax.f32 v1, v22;
	v15 =	vld [tilespmem:s17+$0xFFFFFFF0];
	v8 =	vsel vm2, v13, v8;
	v19 =	vadd.f32 v18, v20;
	v5 =	vmovc v22;
	(pc) =	sbr.rel @p0 .LBB2_2-.Ltmp0, $4  }
0x2d: {  	v9 =	vsel vm2, v23, v9;
	v11 =	vsel vm2, v2, v11;
	v2 =	vmovc v3;
	v1 =	vmax.f32 v12, v25;
	v13 =	vld [tilespmem:s17+$0x0]  }
0x2e: {  	v20 =	vmul.f32 $1.442695020e+00, v16;
	v3 =	vmovc v6;
	v6 =	vmovc v25;
	v18 =	vsub.f32 v12, v1;
	v22 =	vsub.f32 v25, v1  }
0x2f: {  	v21 =	vmul.f32 $1.442695020e+00, v14;
	v16 =	vsub.f32 v24, v12;
	v14 =	vsub.f32 v5, v12;
	v23 =	vpop (erf)  }
0x30: {  	s19 =	sadd.s32 $0x20, s19;
	s18 =	sadd.s32 $0x20, s18;
	v12 =	vor.u32 s20, v0;
	s20 =	sadd.s32 $0x10, s20;
	(erf) = vpow2.f32 v20;
	v20 =	vmul.f32 v23, v19;
	v19 =	vmovc v10;
	v10 =	vmovc v22  }
0x31: {  	v17 =	vmul.f32 $1.442695020e+00, v17  }
0x32: {  	(erf) = vpow2.f32 v21;
	v19 =	vmul.f32 $1.442695020e+00, v19  }
0x33: {  	v16 =	vmul.f32 $1.442695020e+00, v16;
	(erf) = vpow2.f32 v17  }
0x34: {  	v14 =	vmul.f32 $1.442695020e+00, v14;
	(erf) = vpow2.f32 v19  }
0x35: {  	(erf) = vpow2.f32 v16;
	v16 =	vmul.f32 $1.442695020e+00, v18  }
0x36: {  	v10 =	vmul.f32 $1.442695020e+00, v10  }
0x37: {  	(erf) = vpow2.f32 v14  }
0x38: {  	v14 =	vpop (erf);
	(erf) = vpow2.f32 v16  }
0x39: {  	v16 =	vpop (erf);
	(erf) = vpow2.f32 v10  }
0x3a: {  	v10 =	vpop (erf)  }
0x3b: {  	v17 =	vpop (erf)  }
0x3c: {  	v18 =	vpop (erf)  }
0x3d: {  	v19 =	vpop (erf)  }
0x3e: {  	s17 =	sadd.s32 $0x20, s17;
	v21 =	vpop (erf)  }
0x3f: {  	v22 =	vld [tilespmem:s17+$0xFFFFFFF0];
	v14 =	vadd.f32 v20, v14;
	v23 =	vpop (erf)  }
0x40: {  	v20 =	vld [tilespmem:s17+$0x0];
	s17 =	sadd.s32 $0x20, s17;
	v25 =	vpop (erf)  }
0x41: {  	s19 =	simm.s32 $0x0;
	v24 =	vld [tilespmem:s17+$0xFFFFFFF0];
	v14 =	vmul.f32 v16, v14;
	v26 =	vpop (erf)  }
0x42: {  	v16 =	vld [tilespmem:s17+$0x0];
	[tilespmem:s19], [sflag:$0x1] =	stream.linear.gather [hbm4b:s5+s19], $0x1000, $0x38;
	v27 =	vpop (erf)  }
0x43: {  	v10 =	vadd.f32 v14, v10;
	v14 =	vadd.f32 v15, v7;
	_ =	swait.ge [sflag:s10], $0x1000  }
0x44: {  	[sflag:s10] =	ssyncset.done $0x0  }
0x45: {  	vm2 =	vgt.f32 v14, v8;
	[sflag:s10] =	ssyncadd.s32 $0xFFFFF000  }
0x46: {  	v13 =	vadd.f32 v13, v2;
	v10 =	vmul.f32 v17, v10;
	v8 =	vsel vm2, v14, v8;
	[tilespmem:s11], [sflag:$0x1] =	stream.linear.gather [hbm4b:s6+s19], $0x1000, $0x38;
	[tilespmem:$0x2100] =	vst v63  }
0x47: {  	s28 =	sadd.s32 $0x10, s16;
	v7 =	vsel vm2, v7, v11;
	v9 =	vsel vm2, v12, v9;
	v11 =	vor.u32 s20, v0;
	_ =	swait.ge [sflag:s10], $0x1000  }
0x48: {  	v12 =	vadd.f32 v22, v4;
	v14 =	vor.u32 s28, v0;
	vm2 =	vgt.f32 v13, v8;
	[sflag:s10] =	ssyncset.done $0x0  }
0x49: {  	s26 =	simm.s32 $0x10;
	v10 =	vadd.f32 v10, v18;
	v8 =	vsel vm2, v13, v8;
	v9 =	vsel vm2, v11, v9;
	[sflag:s10] =	ssyncadd.s32 $0xFFFFF000  }
0x4a: {  	v7 =	vsel vm2, v2, v7;
	v13 =	vadd.f32 v20, v3;
	vm2 =	vgt.f32 v12, v8;
	v2 =	vld [tilespmem:s26+$0xFFFFFFF0]  }
0x4b: {  	v11 =	vor.u32 s16, v0;
	v10 =	vmul.f32 v19, v10;
	v8 =	vsel vm2, v12, v8  }
0x4c: {  	v4 =	vsel vm2, v4, v7;
	v7 =	vsel vm2, v11, v9;
	vm2 =	vgt.f32 v13, v8  }
0x4d: {  	s29 =	simm.s32 $0x30;
	v15 =	vadd.f32 v16, v6;
	v12 =	vadd.f32 v24, v5;
	v11 =	vsel vm2, v3, v4;
	v3 =	vld [tilespmem:s26+$0x0]  }
0x4e: {  	v9 =	vimm.f32 $-1.000000020e+30;
	v10 =	vadd.f32 v10, v21;
	v8 =	vsel vm2, v13, v8;
	v4 =	vld [tilespmem:s29+$0xFFFFFFF0]  }
0x4f: {  	v7 =	vsel vm2, v14, v7;
	vm2 =	vgt.f32 v12, v8;
	v14 =	vmax.f32 v9, v2  }
0x50: {  	v13 =	vor.u32 s15, v0;
	v8 =	vsel vm2, v12, v8;
	v16 =	vsub.f32 v9, v14  }
0x51: {  	v11 =	vsel vm2, v5, v11;
	v7 =	vsel vm2, v13, v7;
	vm2 =	vgt.f32 v15, v8  }
0x52: {  	v19 =	vsel vm2, v15, v8;
	v8 =	vmax.f32 v14, v3;
	v12 =	vmul.f32 $1.442695020e+00, v16  }
0x53: {  	v10 =	vmul.f32 v23, v10;
	v18 =	vsel vm2, v6, v11;
	v11 =	vmax.f32 v8, v4  }
0x54: {  	s30 =	sadd.s32 $0x10, s15;
	v5 =	vld [tilespmem:s29+$0x0];
	(erf) = vpow2.f32 v12;
	v12 =	vsub.f32 v14, v8;
	v14 =	vsub.f32 v2, v14  }
0x55: {  	s31 =	simm.s32 $0x50;
	v10 =	vadd.f32 v10, v25;
	v16 =	vor.u32 s30, v0;
	v20 =	vsub.f32 v8, v11  }
0x56: {  	v17 =	vsel vm2, v16, v7;
	v7 =	vld [tilespmem:s31+$0xFFFFFFF0];
	v16 =	vsub.f32 v3, v8;
	v8 =	vmul.f32 $1.442695020e+00, v14  }
0x57: {  	v12 =	vmul.f32 $1.442695020e+00, v12  }
0x58: {  	v10 =	vmul.f32 v26, v10;
	(erf) = vpow2.f32 v8  }
0x59: {  	v6 =	vld [tilespmem:s31+$0x0];
	v15 =	vmax.f32 v11, v5;
	v16 =	vmul.f32 $1.442695020e+00, v16;
	(erf) = vpow2.f32 v12  }
0x5a: {  	v13 =	vadd.f32 v10, v27;
	v23 =	vsub.f32 v11, v15  }
0x5b: {  	s18 =	simm.s32 $0x1010;
	v11 =	vsub.f32 v4, v11;
	v14 =	vmax.f32 v15, v7;
	(erf) = vpow2.f32 v16  }
0x5c: {  	v25 =	vsub.f32 v5, v15;
	v22 =	vsub.f32 v15, v14;
	v15 =	vld [tilespmem:s18+$0xFFFFFFF0]  }
0x5d: {  	v10 =	vimm.s32 $0x0;
	v27 =	vimm.f32 $0.0e+00;
	v26 =	vmul.f32 $1.442695020e+00, v11;
	v16 =	vld [tilespmem:s18+$0x0]  }
0x5e: {  	v8 =	vmax.f32 v14, v6;
	v12 =	vmul.f32 $1.442695020e+00, v20;
	v21 =	vsub.f32 v7, v14  }
0x5f: {  	s17 =	simm.s32 $0x40;
	s20 =	simm.s32 $0x60;
	v24 =	vsub.f32 v14, v8;
	v20 =	vsub.f32 v6, v8;
	v14 =	vor.u32 s19, v0;
	v11 =	vpop (erf)  }
0x60: {  	s16 =	simm.s32 $0x20;
	s15 =	simm.s32 $0x70;
	s19 =	simm.s32 $0x10;
	(erf) = vpow2.f32 v12;
	v12 =	vmul.f32 v11, v27;
	v11 =	vimm.f32 $-1.000000020e+30  }
.LBB2_4:
0x61: {  	v27 =	vld [tilespmem:s15+$0xFFFFFFF0];
	p0 =	sne.s32 s20, $0xFE0;
	v31 =	vmul.f32 $1.442695020e+00, v23;
	v15 =	vadd.f32 v15, v2;
	v28 =	vor.u32 s19, v0;
	v29 =	vpop (erf);
	s19 =	smov.u32 s16;
	s16 =	smov.u32 s17  }
0x62: {  	s17 =	smov.u32 s20;
	v30 =	vld [tilespmem:s15+$0x0];
	(erf) = vpow2.f32 v26;
	v12 =	vadd.f32 v12, v29;
	v16 =	vadd.f32 v16, v3;
	v26 =	vpop (erf)  }
0x63: {  	v25 =	vmul.f32 $1.442695020e+00, v25;
	v23 =	vmovc v24;
	v29 =	vmovc v8;
	(erf) = vpow2.f32 v31;
	vm2 =	vgt.f32 v15, v9  }
0x64: {  	v9 =	vsel vm2, v15, v9;
	v11 =	vsel vm2, v2, v11;
	v12 =	vmul.f32 v26, v12;
	v24 =	vpop (erf)  }
0x65: {  	s18 =	sadd.s32 $0x20, s18;
	v10 =	vsel vm2, v14, v10;
	v2 =	vmovc v4;
	v4 =	vmovc v7;
	(erf) = vpow2.f32 v25;
	vm2 =	vgt.f32 v16, v9  }
.Ltmp1:
0x66: {  	v14 =	vmax.f32 v8, v27;
	v15 =	vld [tilespmem:s18+$0xFFFFFFF0];
	v9 =	vsel vm2, v16, v9;
	v12 =	vadd.f32 v12, v24;
	v7 =	vmovc v27;
	(pc) =	sbr.rel @p0 .LBB2_4-.Ltmp1, $4  }
0x67: {  	v10 =	vsel vm2, v28, v10;
	v11 =	vsel vm2, v3, v11;
	v3 =	vmovc v5;
	v8 =	vmax.f32 v14, v30;
	v16 =	vld [tilespmem:s18+$0x0]  }
0x68: {  	v31 =	vmul.f32 $1.442695020e+00, v22;
	v5 =	vmovc v6;
	v6 =	vmovc v30;
	v24 =	vsub.f32 v14, v8;
	v27 =	vsub.f32 v30, v8  }
0x69: {  	v26 =	vmul.f32 $1.442695020e+00, v21;
	v22 =	vsub.f32 v29, v14;
	v21 =	vsub.f32 v7, v14;
	v28 =	vpop (erf)  }
0x6a: {  	s20 =	sadd.s32 $0x20, s20;
	s15 =	sadd.s32 $0x20, s15;
	v25 =	vmovc v20;
	v14 =	vor.u32 s19, v0;
	s19 =	sadd.s32 $0x10, s19;
	(erf) = vpow2.f32 v31;
	v12 =	vmul.f32 v28, v12;
	v20 =	vmovc v27  }
0x6b: {  	(xrf0) =	vmax.scan.msk.f32 $0xffff, v19;
	_ =	sdelay $0x5  }
0x6c: {  	v27, _, _ =	vpop (xrf0)  }
0x6d: {  	v27 =	vbroadcast v27, $0xF;
	_ =	sdelay $0x1  }
0x6e: {  	v54 =	vxor.u32 $0x80000000, v17;
	vm2 =	veq.f32 v19, v27  }
0x6f: {  	v19 =	vnsel vm2, $0xFFFFFFFF, v54  }
0x70: {  	(xrf0) =	vmin.scan.msk.u32 $0xffff, v19;
	_ =	sdelay $0x5  }
0x71: {  	v19, _, _ =	vpop (xrf0)  }
0x72: {  	(v2sf) =	vpush v19, $0xF;
	_ =	sdelay $0xe  }
0x73: {  	s15 =	spop (v2sf)  }
0x74: {  	s15 =	sxor.u32 $0x80000000, s15  }
0x75: {  	vm2 =	veq.s32 v17, s15  }
0x76: {  	v17 =	vnsel vm2, $0xF149F2CA, v18  }
0x77: {  	(xrf0) =	vmax.scan.msk.f32 $0xffff, v17  }
0x78: {  	(xrf0) =	vmax.scan.msk.f32 $0xffff, v1;
	_ =	sdelay $0x4  }
0x79: {  	v55 =	vmul.f32 $1.442695020e+00, v23;
	v18, _, _ =	vpop (xrf0)  }
0x7a: {  	(erf) = vpow2.f32 v26;
	v56 =	vmul.f32 $1.442695020e+00, v25;
	v17, _, _ =	vpop (xrf0)  }
0x7b: {  	v22 =	vmul.f32 $1.442695020e+00, v22;
	v57 =	vbroadcast v17, $0xF  }
0x7c: {  	v58 =	vmul.f32 $1.442695020e+00, v21;
	(erf) = vpow2.f32 v55  }
0x7d: {  	v59 =	vmul.f32 $1.442695020e+00, v24;
	(erf) = vpow2.f32 v56;
	v1 =	vsub.f32 v1, v57  }
0x7e: {  	v60 =	vmul.f32 $1.442695020e+00, v20;
	(erf) = vpow2.f32 v22  }
0x7f: {  	(erf) = vpow2.f32 v58;
	v1 =	vmul.f32 $1.442695020e+00, v1  }
0x80: {  	v61 =	vpop (erf);
	(erf) = vpow2.f32 v59  }
0x81: {  	v62 =	vpop (erf);
	(erf) = vpow2.f32 v60  }
0x82: {  	v63 =	vpop (erf);
	(erf) = vpow2.f32 v1  }
0x83: {  	v1 =	vpop (erf)  }
0x84: {  	v36 =	vpop (erf)  }
0x85: {  	v37 =	vpop (erf)  }
0x86: {  	v38 =	vpop (erf)  }
0x87: {  	v39 =	vpop (erf)  }
0x88: {  	v40 =	vpop (erf)  }
0x89: {  	v41 =	vpop (erf)  }
0x8a: {  	v28 =	vpop (erf)  }
0x8b: {  	v29 =	vpop (erf)  }
0x8c: {  	v13 =	vmul.f32 v29, v13;
	_ =	sdelay $0x1  }
0x8d: {  	(xrf2) =	vadd.scan.msk.f32 $0xffff, v13;
	_ =	sdelay $0x9  }
0x8e: {  	v13, _, _ =	vpop (xrf2)  }
0x8f: {  	v13 =	vbroadcast v13, $0xF;
	_ =	sdelay $0x1  }
0x90: {  	v42 =	vand.u32 $0x7FFFFF, v13  }
0x91: {  	v29 =	vor.u32 $0x3F800000, v42  }
0x92: {  	v30 =	vadd.f32 $1.000000000e+00, v29;
	_ =	sdelay $0x1  }
0x93: {  	(erf) = vrcp.f32 v30;
	_ =	sdelay $0x7  }
0x94: {  	v29 =	vadd.f32 $-1.000000000e+00, v29  }
0x95: {  	v43 =	vshrl.u32 v13, $0x17;
	v31 =	vpop (erf)  }
0x96: {  	v30 =	vand.u32 $0xFF, v43;
	v29 =	vmul.f32 v31, v29  }
0x97: {  	v30 =	vadd.s32 $0xFFFFFF81, v30  }
0x98: {  	v30 =	vcvt.s32.f32 v30;
	v31 =	vmul.f32 $6.666666860e-01, v29;
	_ =	sdelay $0x1  }
0x99: {  	v30 =	vmul.f32 $6.931471820e-01, v30;
	v32 =	vadd.f32 v29, v29;
	v31 =	vmul.f32 v31, v29;
	_ =	sdelay $0x1  }
0x9a: {  	v30 =	vadd.f32 v32, v30;
	v29 =	vmul.f32 v31, v29;
	_ =	sdelay $0x1  }
0x9b: {  	v29 =	vadd.f32 v29, v30;
	_ =	sdelay $0x1  }
0x9c: {  	v30 =	vsub.f32 $0.0e+00, v29;
	_ =	sdelay $0x1  }
0x9d: {  	v30 =	vmul.f32 $1.442695020e+00, v30;
	_ =	sdelay $0x1  }
0x9e: {  	(erf) = vpow2.f32 v30;
	_ =	sdelay $0x8  }
0x9f: {  	v30 =	vpop (erf)  }
0xa0: {  	v30 =	vmul.f32 v30, v13;
	_ =	sdelay $0x1  }
0xa1: {  	v29 =	vadd.f32 v30, v29;
	_ =	sdelay $0x1  }
0xa2: {  	v29 =	vadd.f32 $-1.000000000e+00, v29;
	_ =	sdelay $0x1  }
0xa3: {  	v44 =	vsub.f32 $0.0e+00, v29;
	_ =	sdelay $0x1  }
0xa4: {  	v30 =	vmul.f32 $1.442695020e+00, v44;
	_ =	sdelay $0x1  }
0xa5: {  	(erf) = vpow2.f32 v30  }
0xa6: {  	s18 =	sadd.s32 $0x20, s18  }
0xa7: {  	v45 =	vld [tilespmem:s18+$0xFFFFFFF0]  }
0xa8: {  	v15 =	vadd.f32 v15, v2  }
0xa9: {  	v46 =	vld [tilespmem:s18+$0x0]  }
0xaa: {  	v16 =	vadd.f32 v16, v3;
	s18 =	sadd.s32 $0x20, s18;
	vm2 =	vgt.f32 v15, v9  }
0xab: {  	v47 =	vld [tilespmem:s18+$0xFFFFFFF0];
	v9 =	vsel vm2, v15, v9  }
0xac: {  	vm3 =	vgt.f32 v16, v9;
	v30 =	vadd.f32 v45, v4  }
0xad: {  	v48 =	vld [tilespmem:s18+$0x0];
	v9 =	vsel vm3, v16, v9  }
0xae: {  	v31 =	vadd.f32 v46, v5;
	vm4 =	vgt.f32 v30, v9;
	v49 =	vpop (erf)  }
0xaf: {  	v9 =	vsel vm4, v30, v9;
	v13 =	vmul.f32 v49, v13  }
0xb0: {  	v15 =	vadd.f32 v47, v7;
	vm5 =	vgt.f32 v31, v9  }
0xb1: {  	v9 =	vsel vm5, v31, v9;
	v13 =	vadd.f32 v13, v29  }
0xb2: {  	v16 =	vadd.f32 v48, v6;
	vm6 =	vgt.f32 v15, v9  }
0xb3: {  	v9 =	vsel vm6, v15, v9;
	v13 =	vadd.f32 $-1.000000000e+00, v13  }
0xb4: {  	vm7 =	vgt.f32 v16, v9  }
0xb5: {  	v9 =	vsel vm7, v16, v9;
	(xrf0) =	vmax.scan.msk.f32 $0xffff, v13  }
0xb6: {  	(xrf0) =	vmax.scan.msk.f32 $0xffff, v9;
	_ =	sdelay $0x2  }
0xb7: {  	v50 =	vor.u32 s19, v0;
	v10 =	vsel vm2, v14, v10  }
0xb8: {  	v51 =	vor.u32 s16, v0;
	s21 =	sadd.s32 $0x10, s16;
	v10 =	vsel vm3, v50, v10  }
0xb9: {  	v52 =	vor.u32 s21, v0;
	v10 =	vsel vm4, v51, v10;
	v53, _, _ =	vpop (xrf0)  }
0xba: {  	s22 =	sadd.s32 $0x10, s17;
	v54 =	vor.u32 s17, v0;
	v10 =	vsel vm5, v52, v10;
	v55, _, _ =	vpop (xrf0)  }
0xbb: {  	v56 =	vor.u32 s22, v0;
	v10 =	vsel vm6, v54, v10;
	v15 =	vbroadcast v55, $0xF  }
0xbc: {  	v10 =	vsel vm7, v56, v10  }
0xbd: {  	v57 =	vxor.u32 $0x80000000, v10;
	vm8 =	veq.f32 v9, v15  }
0xbe: {  	v9 =	vnsel vm8, $0xFFFFFFFF, v57  }
0xbf: {  	(xrf0) =	vmin.scan.msk.u32 $0xffff, v9;
	_ =	sdelay $0x3  }
0xc0: {  	(v2sf) =	vpush v18, $0xF  }
0xc1: {  	(v2sf) =	vpush v17, $0xF  }
0xc2: {  	(v2sf) =	vpush v53, $0xF;
	v9, _, _ =	vpop (xrf0)  }
0xc3: {  	(v2sf) =	vpush v9, $0xF;
	_ =	sdelay $0xb  }
0xc4: {  	v2 =	vsel vm2, v2, v11;
	s23 =	spop (v2sf)  }
0xc5: {  	v2 =	vsel vm3, v3, v2;
	s24 =	spop (v2sf)  }
0xc6: {  	v2 =	vsel vm4, v4, v2;
	s25 =	spop (v2sf)  }
0xc7: {  	v2 =	vsel vm5, v5, v2;
	s26 =	spop (v2sf)  }
0xc8: {  	v2 =	vsel vm6, v7, v2;
	s16 =	sxor.u32 $0x80000000, s26  }
0xc9: {  	v2 =	vsel vm7, v6, v2;
	vm2 =	veq.s32 v10, s16  }
0xca: {  	v2 =	vnsel vm2, $0xF149F2CA, v2  }
0xcb: {  	(xrf0) =	vmax.scan.msk.f32 $0xffff, v2  }
0xcc: {  	(xrf0) =	vmax.scan.msk.f32 $0xffff, v8  }
0xcd: {  	v2 =	vadd.f32 v12, v61;
	_ =	sdelay $0x1  }
0xce: {  	v2 =	vmul.f32 v62, v2;
	_ =	sdelay $0x1  }
0xcf: {  	v2 =	vadd.f32 v2, v63;
	v3, _, _ =	vpop (xrf0)  }
0xd0: {  	v58, _, _ =	vpop (xrf0)  }
0xd1: {  	v1 =	vmul.f32 v1, v2;
	v2 =	vbroadcast v58, $0xF;
	_ =	sdelay $0x1  }
0xd2: {  	v1 =	vadd.f32 v1, v36;
	v2 =	vsub.f32 v8, v2;
	_ =	sdelay $0x1  }
0xd3: {  	v1 =	vmul.f32 v37, v1;
	v2 =	vmul.f32 $1.442695020e+00, v2;
	_ =	sdelay $0x1  }
0xd4: {  	v1 =	vadd.f32 v1, v38;
	(erf) = vpow2.f32 v2;
	_ =	sdelay $0x1  }
0xd5: {  	v1 =	vmul.f32 v39, v1;
	_ =	sdelay $0x1  }
0xd6: {  	v1 =	vadd.f32 v1, v40;
	_ =	sdelay $0x1  }
0xd7: {  	v1 =	vmul.f32 v41, v1;
	_ =	sdelay $0x1  }
0xd8: {  	v1 =	vadd.f32 v1, v28  }
0xd9: {  	v2 =	vpop (erf)  }
0xda: {  	v1 =	vmul.f32 v2, v1;
	_ =	sdelay $0x1  }
0xdb: {  	(xrf2) =	vadd.scan.msk.f32 $0xffff, v1;
	_ =	sdelay $0x9  }
0xdc: {  	v1, _, _ =	vpop (xrf2)  }
0xdd: {  	v1 =	vbroadcast v1, $0xF;
	_ =	sdelay $0x1  }
0xde: {  	v2 =	vand.u32 $0x7FFFFF, v1  }
0xdf: {  	v2 =	vor.u32 $0x3F800000, v2  }
0xe0: {  	v59 =	vadd.f32 $1.000000000e+00, v2;
	_ =	sdelay $0x1  }
0xe1: {  	(erf) = vrcp.f32 v59;
	_ =	sdelay $0x7  }
0xe2: {  	v2 =	vadd.f32 $-1.000000000e+00, v2  }
0xe3: {  	v60 =	vshrl.u32 v1, $0x17;
	v61 =	vpop (erf)  }
0xe4: {  	v5 =	vand.u32 $0xFF, v60;
	v2 =	vmul.f32 v61, v2  }
0xe5: {  	v5 =	vadd.s32 $0xFFFFFF81, v5  }
0xe6: {  	v5 =	vcvt.s32.f32 v5;
	v6 =	vmul.f32 $6.666666860e-01, v2;
	_ =	sdelay $0x1  }
0xe7: {  	v5 =	vmul.f32 $6.931471820e-01, v5;
	v62 =	vadd.f32 v2, v2;
	v6 =	vmul.f32 v6, v2;
	_ =	sdelay $0x1  }
0xe8: {  	v5 =	vadd.f32 v62, v5;
	v2 =	vmul.f32 v6, v2;
	_ =	sdelay $0x1  }
0xe9: {  	v2 =	vadd.f32 v2, v5;
	_ =	sdelay $0x1  }
0xea: {  	v5 =	vsub.f32 $0.0e+00, v2;
	_ =	sdelay $0x1  }
0xeb: {  	v5 =	vmul.f32 $1.442695020e+00, v5;
	_ =	sdelay $0x1  }
0xec: {  	(erf) = vpow2.f32 v5;
	_ =	sdelay $0x8  }
0xed: {  	v5 =	vpop (erf)  }
0xee: {  	v5 =	vmul.f32 v5, v1;
	_ =	sdelay $0x1  }
0xef: {  	v2 =	vadd.f32 v5, v2;
	_ =	sdelay $0x1  }
0xf0: {  	v2 =	vadd.f32 $-1.000000000e+00, v2;
	_ =	sdelay $0x1  }
0xf1: {  	v63 =	vsub.f32 $0.0e+00, v2;
	_ =	sdelay $0x1  }
0xf2: {  	v5 =	vmul.f32 $1.442695020e+00, v63;
	_ =	sdelay $0x1  }
0xf3: {  	(erf) = vpow2.f32 v5;
	_ =	sdelay $0x8  }
0xf4: {  	v5 =	vpop (erf)  }
0xf5: {  	v1 =	vmul.f32 v5, v1;
	_ =	sdelay $0x1  }
0xf6: {  	v1 =	vadd.f32 v1, v2;
	_ =	sdelay $0x1  }
0xf7: {  	v1 =	vadd.f32 $-1.000000000e+00, v1;
	_ =	sdelay $0x1  }
0xf8: {  	(xrf0) =	vmax.scan.msk.f32 $0xffff, v1;
	_ =	sdelay $0x3  }
0xf9: {  	(v2sf) =	vpush v3, $0xF  }
0xfa: {  	(v2sf) =	vpush v58, $0xF  }
0xfb: {  	v1, _, _ =	vpop (xrf0)  }
0xfc: {  	(v2sf) =	vpush v1, $0xF;
	_ =	sdelay $0xa  }
0xfd: {  	s17 =	ssub.f32 s23, s24  }
0xfe: {  	s28 =	spop (v2sf)  }
0xff: {  	s17 =	ssub.f32 s17, s25;
	s20 =	spop (v2sf)  }
0x100: {  	s29 =	ssub.f32 s28, s20  }
0x101: {  	v1 =	vmov s15;
	s30 =	spop (v2sf)  }
0x102: {  	v2 =	vmov s17;
	v1 =	vnsel vm0, $0x0, v1;
	s31 =	ssub.f32 s29, s30  }
0x103: {  	v2 =	vnsel vm0, $0x0, v2;
	v1 =	vsel vm1, s16, v1  }
0x104: {  	[tilespmem:$0x2000] =	vst v1;
	v2 =	vsel vm1, s31, v2  }
0x105: {  	[tilespmem:$0x2080] =	vst v2  }
0x106: {  	[hbm4b:s7+s2] =	stream.linear.scatter [tilespmem:s12], [sflag:$0x1], $0x80, $0x38;
	[tilespmem:$0x2100] =	vst v63  }
0x107: {  	s14 =	sadd.s32 $0x1, s14;
	_ =	swait.ge [sflag:s10], $0x80  }
0x108: {  	p0 =	sne.s32 s14, s9;
	[sflag:s10] =	ssyncset.done $0x0  }
.Ltmp2:
0x109: {  	[sflag:s10] =	ssyncadd.s32 $0xFFFFFF80;
	(pc) =	sbr.rel @p0 .LBB2_1-.Ltmp2, $4  }
0x10a: {  	[hbm4b:s8+s2] =	stream.linear.scatter [tilespmem:s13], [sflag:$0x1], $0x80, $0x38;
	[tilespmem:$0x2100] =	vst v63  }
0x10b: {  	_ =	swait.ge [sflag:s10], $0x80  }
0x10c: {  	[sflag:s10] =	ssyncset.done $0x0  }
0x10d: {  	[sflag:s10] =	ssyncadd.s32 $0xFFFFFF80  }
0x10e: {  	_ =	sfence.sel $0x180000  }
0x10f: {  	[bflag:$0x0] =	sbarrier.arrive $0xFFFF  }
0x110: {  	p0 =	sne.s32 s1, $0x0;
	_ =	strace $0x90000047  }
0x111: {  	s0 =	sadd.s32 @!p0 $0x100000, s0;
	[bflag:$0x2] =	sbarrier.arrive $0xFFFF  }
0x112: {  	[sflag:s0] =	ssyncadd.tile.s32 @!p0 $0x1;
	_ =	shalt  }
.Lfunc_end2:
_tile_overlayer_lowered:
.L_overlay_start_2:
0x113: {  	(tag) =	ssettag $0x2  }
0x114: {  	s0 =	rddreg [dreg:$0x0];
	s2 =	stileid.u32  }
0x115: {  	s1 =	rddreg [dreg:$0x1];
	p0 =	sne.s32 s2, $0x0  }
0x116: {  	s3 =	rddreg [dreg:$0x2];
	[bflag:$0x3] =	sbarrier.arrive $0xFFFF;
	s2 =	simm.s32 @!p0 $0x1C01  }
0x117: {  	[timem:s3], [sflag:s2] =	dma.local @!p0 [hbm:s0], s1  }
0x118: {  	s0 =	simm.s32 @!p0 $0x1  }
0x119: {  	_ =	swait.ge @!p0 [sflag:s0], s1  }
0x11a: {  	s1 =	ssub.s32 @!p0 $0x0, s1;
	[sflag:s0] =	ssyncset.done @!p0 $0x0  }
0x11b: {  	[sflag:s0] =	ssyncadd.s32 @!p0 s1  }
0x11c: {  	[bflag:$0x3] =	sbarrier.arrive $0xFFFF  }
0x11d: {  	_ =	shalt  }

</sc_bundles>
